<compile_context>
chip_gen: v7x
topology: tpu7x:2x2x1
jax: 0.10.2.dev20260603
libtpu: 0.0.44.dev20260713+nightly
codegen_flags: <defaults>
</compile_context>

<pallas_src>
import functools

import jax
import jax.numpy as jnp
from jax import lax
from jax.experimental import pallas as pl
from jax.experimental.pallas import tpu as pltpu
from jax.experimental.pallas import tpu_sc as plsc

N_NODES = 10000
D_FEAT = 128
EMB = 16
EDGE_DIM = 16
HIDDEN = 64
NUM_EMB = 8

NW = 32
CHUNK = 128
CPW = 80
NCH = NW * CPW
EP = NCH * CHUNK
STRIPE = 632
ACC_ROWS = 16 * STRIPE

_SC_MESH = plsc.VectorSubcoreMesh(core_axis_name="c", subcore_axis_name="s")


def _node_body(xa_ref, t_ref, emb_ref, w1a_ref, w1b_ref, b1_ref, u_ref):
    emb_w = jnp.dot(emb_ref[...], w1b_ref[...],
                    preferred_element_type=jnp.float32)
    t = t_ref[...].astype(jnp.int32)
    onehot = (lax.broadcasted_iota(jnp.int32, (t.shape[0], NUM_EMB), 1)
              == t).astype(jnp.float32)
    u = (jnp.dot(xa_ref[...], w1a_ref[...],
                 preferred_element_type=jnp.float32)
         + jnp.dot(onehot, emb_w, preferred_element_type=jnp.float32)
         + b1_ref[...])
    u_ref[...] = u


def _node_precompute(xa, t, embed_table, w1a, w1b, b1):
    bn = 1000
    grid = N_NODES // bn
    return pl.pallas_call(
        _node_body,
        grid=(grid,),
        in_specs=[
            pl.BlockSpec((bn, D_FEAT), lambda i: (i, 0)),
            pl.BlockSpec((bn, 1), lambda i: (i, 0)),
            pl.BlockSpec((NUM_EMB, EMB), lambda i: (0, 0)),
            pl.BlockSpec((D_FEAT, HIDDEN), lambda i: (0, 0)),
            pl.BlockSpec((EMB, HIDDEN), lambda i: (0, 0)),
            pl.BlockSpec((1, HIDDEN), lambda i: (0, 0)),
        ],
        out_specs=pl.BlockSpec((bn, HIDDEN), lambda i: (i, 0)),
        out_shape=jax.ShapeDtypeStruct((N_NODES, HIDDEN), jnp.float32),
    )(xa, t, embed_table, w1a, w1b, b1)


@functools.partial(
    pl.kernel,
    mesh=_SC_MESH,
    out_type=jax.ShapeDtypeStruct((NCH, CHUNK, HIDDEN), jnp.float32),
    scratch_types=[
        pltpu.VMEM((CPW, CHUNK), jnp.int32),
        pltpu.VMEM((CHUNK, HIDDEN), jnp.float32),
        pltpu.SemaphoreType.DMA,
    ],
    compiler_params=pltpu.CompilerParams(use_tc_tiling_on_sc=False),
)
def _sc_gather(u_hbm, src_hbm, g_hbm, idx_v, rows_v, sem):
    wid = lax.axis_index("s") * 2 + lax.axis_index("c")
    base = wid * CPW
    pltpu.sync_copy(src_hbm.at[pl.ds(base, CPW)], idx_v)

    def body(c, carry):
        pltpu.async_copy(u_hbm.at[idx_v.at[c]], rows_v, sem).wait()
        pltpu.sync_copy(rows_v, g_hbm.at[base + c])
        return carry

    lax.fori_loop(0, CPW, body, 0)


def _mlp_body(g_ref, ea_ref, w1e_ref, wh_ref, bh_ref, h2_ref):
    h1 = jnp.maximum(
        g_ref[...] + jnp.dot(ea_ref[...], w1e_ref[...],
                             preferred_element_type=jnp.float32), 0.0)
    h2_ref[...] = jnp.maximum(
        jnp.dot(h1, wh_ref[...], preferred_element_type=jnp.float32)
        + bh_ref[...], 0.0)


def _edge_mlp(g, ea, w1e, wh, bh):
    be = 4096
    grid = EP // be
    return pl.pallas_call(
        _mlp_body,
        grid=(grid,),
        in_specs=[
            pl.BlockSpec((be, HIDDEN), lambda i: (i, 0)),
            pl.BlockSpec((be, EDGE_DIM), lambda i: (i, 0)),
            pl.BlockSpec((EDGE_DIM, HIDDEN), lambda i: (0, 0)),
            pl.BlockSpec((HIDDEN, HIDDEN), lambda i: (0, 0)),
            pl.BlockSpec((1, HIDDEN), lambda i: (0, 0)),
        ],
        out_specs=pl.BlockSpec((be, HIDDEN), lambda i: (i, 0)),
        out_shape=jax.ShapeDtypeStruct((EP, HIDDEN), jnp.float32),
    )(g, ea, w1e, wh, bh)


@functools.partial(
    pl.kernel,
    mesh=_SC_MESH,
    out_type=jax.ShapeDtypeStruct((2, ACC_ROWS, HIDDEN), jnp.float32),
    scratch_types=[
        pltpu.VMEM((CPW, CHUNK), jnp.int32),
        pltpu.VMEM((CHUNK, HIDDEN), jnp.float32),
        pltpu.VMEM((STRIPE, HIDDEN), jnp.float32),
        pltpu.VMEM_SHARED((ACC_ROWS, HIDDEN), jnp.float32),
    ],
    compiler_params=pltpu.CompilerParams(use_tc_tiling_on_sc=False),
)
def _sc_scatter(h2_hbm, dst_hbm, part_hbm, idx_v, rows_v, stripe_v, acc):
    cid = lax.axis_index("c")
    sid = lax.axis_index("s")
    wid = sid * 2 + cid
    base = wid * CPW

    zeros = jnp.zeros((16,), jnp.float32)

    def zbody(r, carry):
        for j in range(HIDDEN // 16):
            stripe_v[r, pl.ds(j * 16, 16)] = zeros
        return carry

    lax.fori_loop(0, STRIPE, zbody, 0)
    pltpu.sync_copy(stripe_v, acc.at[pl.ds(sid * STRIPE, STRIPE)])
    plsc.subcore_barrier()

    pltpu.sync_copy(dst_hbm.at[pl.ds(base, CPW)], idx_v)

    def body(c, carry):
        pltpu.sync_copy(h2_hbm.at[base + c], rows_v)
        pltpu.sync_copy(rows_v, acc.at[idx_v.at[c]], add=True)
        return carry

    lax.fori_loop(0, CPW, body, 0)
    plsc.subcore_barrier()

    pltpu.sync_copy(acc.at[pl.ds(sid * STRIPE, STRIPE)], stripe_v)
    pltpu.sync_copy(stripe_v, part_hbm.at[cid, pl.ds(sid * STRIPE, STRIPE)])


def _sum_body(a_ref, b_ref, o_ref):
    o_ref[...] = a_ref[...] + b_ref[...]


def _sum_partials(p0, p1):
    bn = 1000
    grid = N_NODES // bn
    return pl.pallas_call(
        _sum_body,
        grid=(grid,),
        in_specs=[
            pl.BlockSpec((bn, HIDDEN), lambda i: (i, 0)),
            pl.BlockSpec((bn, HIDDEN), lambda i: (i, 0)),
        ],
        out_specs=pl.BlockSpec((bn, HIDDEN), lambda i: (i, 0)),
        out_shape=jax.ShapeDtypeStruct((N_NODES, HIDDEN), jnp.float32),
    )(p0, p1)


@jax.jit
def kernel(x, edge_index, edge_attr, embed_table, W1, b1, Wh, bh):
    xa = x[:, :D_FEAT]
    t = x[:, D_FEAT:]
    w1a = W1[:D_FEAT]
    w1b = W1[D_FEAT:D_FEAT + EMB]
    w1e = W1[D_FEAT + EMB:]

    n_edges = edge_index.shape[1]
    pad = EP - n_edges
    src = jnp.concatenate(
        [edge_index[0], jnp.zeros((pad,), jnp.int32)]).reshape(NCH, CHUNK)
    dst = jnp.concatenate(
        [edge_index[1],
         jnp.full((pad,), N_NODES, jnp.int32)]).reshape(NCH, CHUNK)
    ea = jnp.concatenate(
        [edge_attr, jnp.zeros((pad, EDGE_DIM), jnp.float32)])

    u = _node_precompute(xa, t, embed_table, w1a, w1b,
                         b1.reshape(1, HIDDEN))
    g = _sc_gather(u, src)
    h2 = _edge_mlp(g.reshape(EP, HIDDEN), ea, w1e, Wh,
                   bh.reshape(1, HIDDEN))
    part = _sc_scatter(h2.reshape(NCH, CHUNK, HIDDEN), dst)
    return _sum_partials(part[0, :N_NODES], part[1, :N_NODES])

# --- scband reference (transcript-rebuilt; emitter-appended) ---
"""Pipeline reference for scband-gnnbase-48481590837648 (READ-ONLY COPY).

The authoritative reference and input builder live on the scoring server;
editing this copy changes nothing except your own understanding.
"""

import jax, jax.numpy as jnp
import numpy as np

N_NODES = 10000
N_EDGES = 320000
D_FEAT = 128          # input_dim (node feature dim, excluding node-type column)
EMB = 16              # embedding_size
EDGE_DIM = 16
HIDDEN = 64
NUM_EMB = 8           # num_embeddings (entity types)
NODE_TYPE_IDX = 128   # last column of x holds entity type


def setup_inputs(seed: int = 0) -> dict:
    key = jax.random.key(seed)
    ks = jax.random.split(key, 8)
    # x: [N, D_FEAT + 1]; last column is entity type. Uniform [0,1) so that
    # .astype(int) yields 0, which is in-range for the embedding table.
    x = jax.random.uniform(ks[0], (N_NODES, D_FEAT + 1), dtype=jnp.float32)
    edge_index = jax.random.randint(ks[1], (2, N_EDGES), 0, N_NODES, dtype=jnp.int32)
    edge_attr = jax.random.normal(ks[2], (N_EDGES, EDGE_DIM), dtype=jnp.float32)
    # learned parameters
    embed_table = jax.random.normal(ks[3], (NUM_EMB, EMB), dtype=jnp.float32) * 0.1
    W1 = jax.random.normal(ks[4], (D_FEAT + EMB + EDGE_DIM, HIDDEN), dtype=jnp.float32) * 0.05
    b1 = jnp.zeros((HIDDEN,), dtype=jnp.float32)
    Wh = jax.random.normal(ks[5], (HIDDEN, HIDDEN), dtype=jnp.float32) * 0.05
    bh = jnp.zeros((HIDDEN,), dtype=jnp.float32)
    return {"x": x, "edge_index": edge_index, "edge_attr": edge_attr,
            "embed_table": embed_table, "W1": W1, "b1": b1, "Wh": Wh, "bh": bh}


def reference(x, edge_index, edge_attr, embed_table, W1, b1, Wh, bh):
    # EmbedConv with aggr='add', add_self_loops skipped (edge_attr is not None),
    # use_ReLU=True, use_layerNorm=False, layer_N=1.
    src = edge_index[0]  # x_j gathered from source nodes
    dst = edge_index[1]  # messages aggregated into target nodes
    x_j = jnp.take(x, src, axis=0)                      # gather [E, D+1]
    node_feat_j = x_j[:, :NODE_TYPE_IDX]                # [E, D_FEAT]
    entity_type_j = x_j[:, NODE_TYPE_IDX].astype(jnp.int32)
    entity_embed_j = jnp.take(embed_table, entity_type_j, axis=0)  # embedding lookup [E, EMB]
    node_feat = jnp.concatenate([node_feat_j, entity_embed_j, edge_attr], axis=1)  # [E, D+EMB+EDGE]
    h = jax.nn.relu(node_feat @ W1 + b1)                # lin1 + ReLU (no layernorm)
    h = jax.nn.relu(h @ Wh + bh)                        # lin_h clone (layer_N=1)
    out = jax.ops.segment_sum(h, dst, num_segments=N_NODES)  # scatter-add aggregation
    return out

if __name__ == "__main__":
    import jax
    _d = setup_inputs()
    print(jax.jit(kernel)(*tuple(_d.values())))

</pallas_src>

<mosaic_0001>
#map = affine_map<(d0, d1) -> (0, 0, 0)>
#map1 = affine_map<(d0, d1) -> (0, 0)>
module attributes {stable_mosaic.version = 14 : i64} {
  func.func @_sc_scatter(%arg0: i32, %arg1: i32, %arg2: memref<2560x128x64xf32, #tpu.memory_space<hbm>>, %arg3: memref<2560x128xi32, #tpu.memory_space<hbm>>, %arg4: memref<2x10112x64xf32, #tpu.memory_space<hbm>>, %arg5: memref<80x128xi32, #tpu.memory_space<vmem>>, %arg6: memref<128x64xf32, #tpu.memory_space<vmem>>, %arg7: memref<632x64xf32, #tpu.memory_space<vmem>>, %arg8: memref<10112x64xf32, #tpu.memory_space<vmem_shared>>) attributes {dimension_semantics = [#tpu.dimension_semantics<core_parallel>, #tpu.dimension_semantics<subcore_parallel>], iteration_bounds = array<i64: 2, 16>, scalar_prefetch = 0 : i64, scratch_operands = 4 : i64, tpu.core_type = #tpu.core_type<sc_vector_subcore>, window_params = [{transform_indices = #map}, {transform_indices = #map1}, {transform_indices = #map}]} {
    %mul3A = arith.constant 2 : i32
    %mul3A_0 = arith.muli %arg1, %mul3A : i32
    %add3A = arith.addi %mul3A_0, %arg0 : i32
    %mul3A_1 = arith.constant 80 : i32
    %mul3A_2 = arith.muli %add3A, %mul3A_1 : i32
    %broadcast_in_dim3A = arith.constant 0.000000e+00 : f32
    %broadcast_in_dim3A_3 = vector.broadcast %broadcast_in_dim3A : f32 to vector<16xf32>
    %scan3A = arith.constant 0 : i32
    %scan3A_4 = arith.constant 0 : i32
    %scan3A_5 = arith.constant 632 : i32
    %scan3A_6 = arith.addi %scan3A_4, %scan3A_5 : i32
    %scan3A_7 = arith.constant 1 : i32
    scf.for %scan3A_22 = %scan3A_4 to %scan3A_6 step %scan3A_7  : i32 {
      %swap3A = arith.index_cast %scan3A_22 : i32 to index
      %swap3A_23 = arith.constant 0 : index
      %swap3A_24 = tpu.vector_load %arg7[%swap3A, %swap3A_23] {strides = array<i32>} : memref<632x64xf32, #tpu.memory_space<vmem>>, vector<1x16xf32>,
      %swap3A_25 = vector.shape_cast %swap3A_24 : vector<1x16xf32> to vector<16xf32>
      %swap3A_26 = vector.shape_cast %broadcast_in_dim3A_3 : vector<16xf32> to vector<1x16xf32>
      tpu.vector_store %arg7[%swap3A, %swap3A_23], %swap3A_26 {strides = array<i32>} : memref<632x64xf32, #tpu.memory_space<vmem>>, vector<1x16xf32>,
      %swap3A_27 = arith.index_cast %scan3A_22 : i32 to index
      %swap3A_28 = arith.constant 16 : index
      %swap3A_29 = tpu.vector_load %arg7[%swap3A_27, %swap3A_28] {strides = array<i32>} : memref<632x64xf32, #tpu.memory_space<vmem>>, vector<1x16xf32>,
      %swap3A_30 = vector.shape_cast %swap3A_29 : vector<1x16xf32> to vector<16xf32>
      %swap3A_31 = vector.shape_cast %broadcast_in_dim3A_3 : vector<16xf32> to vector<1x16xf32>
      tpu.vector_store %arg7[%swap3A_27, %swap3A_28], %swap3A_31 {strides = array<i32>} : memref<632x64xf32, #tpu.memory_space<vmem>>, vector<1x16xf32>,
      %swap3A_32 = arith.index_cast %scan3A_22 : i32 to index
      %swap3A_33 = arith.constant 32 : index
      %swap3A_34 = tpu.vector_load %arg7[%swap3A_32, %swap3A_33] {strides = array<i32>} : memref<632x64xf32, #tpu.memory_space<vmem>>, vector<1x16xf32>,
      %swap3A_35 = vector.shape_cast %swap3A_34 : vector<1x16xf32> to vector<16xf32>
      %swap3A_36 = vector.shape_cast %broadcast_in_dim3A_3 : vector<16xf32> to vector<1x16xf32>
      tpu.vector_store %arg7[%swap3A_32, %swap3A_33], %swap3A_36 {strides = array<i32>} : memref<632x64xf32, #tpu.memory_space<vmem>>, vector<1x16xf32>,
      %swap3A_37 = arith.index_cast %scan3A_22 : i32 to index
      %swap3A_38 = arith.constant 48 : index
      %swap3A_39 = tpu.vector_load %arg7[%swap3A_37, %swap3A_38] {strides = array<i32>} : memref<632x64xf32, #tpu.memory_space<vmem>>, vector<1x16xf32>,
      %swap3A_40 = vector.shape_cast %swap3A_39 : vector<1x16xf32> to vector<16xf32>
      %swap3A_41 = vector.shape_cast %broadcast_in_dim3A_3 : vector<16xf32> to vector<1x16xf32>
      tpu.vector_store %arg7[%swap3A_37, %swap3A_38], %swap3A_41 {strides = array<i32>} : memref<632x64xf32, #tpu.memory_space<vmem>>, vector<1x16xf32>,
    }
    %scan3A_8 = arith.constant 632 : i32
    %mul3A_9 = arith.constant 632 : i32
    %mul3A_10 = arith.muli %arg1, %mul3A_9 : i32
    "tpu.region"() ({
      %run_scoped3A = tpu.sem_alloc : memref<!tpu.dma_semaphore, #tpu.memory_space<semaphore_mem>>
      %dma_start3A = arith.constant 0 : i32
      %dma_start3A_22 = tpu.memref_slice %arg8[%mul3A_10, %dma_start3A] : memref<10112x64xf32, #tpu.memory_space<vmem_shared>> -> memref<632x64xf32, #tpu.memory_space<vmem_shared>>
      %dma_start3A_23 = arith.constant 0 : i32
      %dma_start3A_24 = tpu.memref_slice %arg8[%mul3A_10, %dma_start3A_23] : memref<10112x64xf32, #tpu.memory_space<vmem_shared>> -> memref<632x64xf32, #tpu.memory_space<vmem_shared>>
      tpu.enqueue_dma source(%arg7 : memref<632x64xf32, #tpu.memory_space<vmem>>) target(%dma_start3A_24 : memref<632x64xf32, #tpu.memory_space<vmem_shared>>) target_semaphore(%run_scoped3A : memref<!tpu.dma_semaphore, #tpu.memory_space<semaphore_mem>>)
      %dma_wait3A = arith.constant 0 : i32
      %dma_wait3A_25 = tpu.memref_slice %arg8[%mul3A_10, %dma_wait3A] : memref<10112x64xf32, #tpu.memory_space<vmem_shared>> -> memref<632x64xf32, #tpu.memory_space<vmem_shared>>
      %dma_wait3A_26 = arith.constant 0 : i32
      %dma_wait3A_27 = tpu.memref_slice %arg8[%mul3A_10, %dma_wait3A_26] : memref<10112x64xf32, #tpu.memory_space<vmem_shared>> -> memref<632x64xf32, #tpu.memory_space<vmem_shared>>
      tpu.wait_dma2 semaphore(%run_scoped3A : memref<!tpu.dma_semaphore, #tpu.memory_space<semaphore_mem>>) src(%arg7 : memref<632x64xf32, #tpu.memory_space<vmem>>) dst(%dma_wait3A_27 : memref<632x64xf32, #tpu.memory_space<vmem_shared>>)
      tpu.yield
    }) : () -> ()
    %barrier3A = arith.constant 0 : index
    tpu.barrier barrier_id(%barrier3A)
    "tpu.region"() ({
      %run_scoped3A = tpu.sem_alloc : memref<!tpu.dma_semaphore, #tpu.memory_space<semaphore_mem>>
      %dma_start3A = arith.constant 0 : i32
      %dma_start3A_22 = tpu.memref_slice %arg3[%mul3A_2, %dma_start3A] : memref<2560x128xi32, #tpu.memory_space<hbm>> -> memref<80x128xi32, #tpu.memory_space<hbm>>
      %dma_start3A_23 = arith.constant 0 : i32
      %dma_start3A_24 = tpu.memref_slice %arg3[%mul3A_2, %dma_start3A_23] : memref<2560x128xi32, #tpu.memory_space<hbm>> -> memref<80x128xi32, #tpu.memory_space<hbm>>
      tpu.enqueue_dma source(%dma_start3A_24 : memref<80x128xi32, #tpu.memory_space<hbm>>) target(%arg5 : memref<80x128xi32, #tpu.memory_space<vmem>>) target_semaphore(%run_scoped3A : memref<!tpu.dma_semaphore, #tpu.memory_space<semaphore_mem>>)
      %dma_wait3A = arith.constant 0 : i32
      %dma_wait3A_25 = tpu.memref_slice %arg3[%mul3A_2, %dma_wait3A] : memref<2560x128xi32, #tpu.memory_space<hbm>> -> memref<80x128xi32, #tpu.memory_space<hbm>>
      %dma_wait3A_26 = arith.constant 0 : i32
      %dma_wait3A_27 = tpu.memref_slice %arg3[%mul3A_2, %dma_wait3A_26] : memref<2560x128xi32, #tpu.memory_space<hbm>> -> memref<80x128xi32, #tpu.memory_space<hbm>>
      tpu.wait_dma2 semaphore(%run_scoped3A : memref<!tpu.dma_semaphore, #tpu.memory_space<semaphore_mem>>) src(%dma_wait3A_27 : memref<80x128xi32, #tpu.memory_space<hbm>>) dst(%arg5 : memref<80x128xi32, #tpu.memory_space<vmem>>)
      tpu.yield
    }) : () -> ()
    %scan3A_11 = arith.constant 0 : i32
    %scan3A_12 = arith.constant 0 : i32
    %scan3A_13 = arith.constant 80 : i32
    %scan3A_14 = arith.addi %scan3A_12, %scan3A_13 : i32
    %scan3A_15 = arith.constant 1 : i32
    scf.for %scan3A_22 = %scan3A_12 to %scan3A_14 step %scan3A_15  : i32 {
      %add3A_23 = arith.addi %mul3A_2, %scan3A_22 : i32
      "tpu.region"() ({
        %run_scoped3A = tpu.sem_alloc : memref<!tpu.dma_semaphore, #tpu.memory_space<semaphore_mem>>
        %dma_start3A = arith.constant 0 : i32
        %dma_start3A_24 = arith.constant 0 : i32
        %dma_start3A_25 = tpu.memref_slice %arg2[%add3A_23, %dma_start3A, %dma_start3A_24] : memref<2560x128x64xf32, #tpu.memory_space<hbm>> -> memref<1x128x64xf32, #tpu.memory_space<hbm>>
        %dma_start3A_26 = tpu.memref_squeeze %dma_start3A_25 : memref<1x128x64xf32, #tpu.memory_space<hbm>> -> memref<128x64xf32, #tpu.memory_space<hbm>>
        %dma_start3A_27 = arith.constant 0 : i32
        %dma_start3A_28 = arith.constant 0 : i32
        %dma_start3A_29 = tpu.memref_slice %arg2[%add3A_23, %dma_start3A_27, %dma_start3A_28] : memref<2560x128x64xf32, #tpu.memory_space<hbm>> -> memref<1x128x64xf32, #tpu.memory_space<hbm>>
        %dma_start3A_30 = tpu.memref_squeeze %dma_start3A_29 : memref<1x128x64xf32, #tpu.memory_space<hbm>> -> memref<128x64xf32, #tpu.memory_space<hbm>>
        tpu.enqueue_dma source(%dma_start3A_30 : memref<128x64xf32, #tpu.memory_space<hbm>>) target(%arg6 : memref<128x64xf32, #tpu.memory_space<vmem>>) target_semaphore(%run_scoped3A : memref<!tpu.dma_semaphore, #tpu.memory_space<semaphore_mem>>)
        %dma_wait3A = arith.constant 0 : i32
        %dma_wait3A_31 = arith.constant 0 : i32
        %dma_wait3A_32 = tpu.memref_slice %arg2[%add3A_23, %dma_wait3A, %dma_wait3A_31] : memref<2560x128x64xf32, #tpu.memory_space<hbm>> -> memref<1x128x64xf32, #tpu.memory_space<hbm>>
        %dma_wait3A_33 = tpu.memref_squeeze %dma_wait3A_32 : memref<1x128x64xf32, #tpu.memory_space<hbm>> -> memref<128x64xf32, #tpu.memory_space<hbm>>
        %dma_wait3A_34 = arith.constant 0 : i32
        %dma_wait3A_35 = arith.constant 0 : i32
        %dma_wait3A_36 = tpu.memref_slice %arg2[%add3A_23, %dma_wait3A_34, %dma_wait3A_35] : memref<2560x128x64xf32, #tpu.memory_space<hbm>> -> memref<1x128x64xf32, #tpu.memory_space<hbm>>
        %dma_wait3A_37 = tpu.memref_squeeze %dma_wait3A_36 : memref<1x128x64xf32, #tpu.memory_space<hbm>> -> memref<128x64xf32, #tpu.memory_space<hbm>>
        tpu.wait_dma2 semaphore(%run_scoped3A : memref<!tpu.dma_semaphore, #tpu.memory_space<semaphore_mem>>) src(%dma_wait3A_37 : memref<128x64xf32, #tpu.memory_space<hbm>>) dst(%arg6 : memref<128x64xf32, #tpu.memory_space<vmem>>)
        tpu.yield
      }) : () -> ()
      "tpu.region"() ({
        %run_scoped3A = tpu.sem_alloc : memref<!tpu.dma_semaphore, #tpu.memory_space<semaphore_mem>>
        %dma_start3A = arith.constant 0 : i32
        %dma_start3A_24 = tpu.memref_slice %arg5[%scan3A_22, %dma_start3A] : memref<80x128xi32, #tpu.memory_space<vmem>> -> memref<1x128xi32, #tpu.memory_space<vmem>>
        %dma_start3A_25 = tpu.memref_squeeze %dma_start3A_24 : memref<1x128xi32, #tpu.memory_space<vmem>> -> memref<128xi32, #tpu.memory_space<vmem>>
        %dma_start3A_26 = arith.constant 0 : i32
        %dma_start3A_27 = arith.constant 0 : i32
        %dma_start3A_28 = tpu.memref_slice %arg8[%dma_start3A_26, %dma_start3A_27] : memref<10112x64xf32, #tpu.memory_space<vmem_shared>> -> memref<10112x64xf32, #tpu.memory_space<vmem_shared>>
        tpu.enqueue_indirect_dma source(%arg6 : memref<128x64xf32, #tpu.memory_space<vmem>>) target(%dma_start3A_28 : memref<10112x64xf32, #tpu.memory_space<vmem_shared>>) offsets(%dma_start3A_25 : memref<128xi32, #tpu.memory_space<vmem>>) semaphore(%run_scoped3A : memref<!tpu.dma_semaphore, #tpu.memory_space<semaphore_mem>>) {add = true}
        %dma_wait3A = arith.constant 0 : i32
        %dma_wait3A_29 = tpu.memref_slice %arg5[%scan3A_22, %dma_wait3A] : memref<80x128xi32, #tpu.memory_space<vmem>> -> memref<1x128xi32, #tpu.memory_space<vmem>>
        %dma_wait3A_30 = tpu.memref_squeeze %dma_wait3A_29 : memref<1x128xi32, #tpu.memory_space<vmem>> -> memref<128xi32, #tpu.memory_space<vmem>>
        %dma_wait3A_31 = arith.constant 0 : i32
        %dma_wait3A_32 = arith.constant 0 : i32
        %dma_wait3A_33 = tpu.memref_slice %arg8[%dma_wait3A_31, %dma_wait3A_32] : memref<10112x64xf32, #tpu.memory_space<vmem_shared>> -> memref<10112x64xf32, #tpu.memory_space<vmem_shared>>
        tpu.wait_indirect_dma semaphore(%run_scoped3A : memref<!tpu.dma_semaphore, #tpu.memory_space<semaphore_mem>>) src(%arg6 : memref<128x64xf32, #tpu.memory_space<vmem>>) dst(%dma_wait3A_33 : memref<10112x64xf32, #tpu.memory_space<vmem_shared>>)
        tpu.yield
      }) : () -> ()
    }
    %scan3A_16 = arith.constant 80 : i32
    %barrier3A_17 = arith.constant 0 : index
    tpu.barrier barrier_id(%barrier3A_17)
    %mul3A_18 = arith.constant 632 : i32
    %mul3A_19 = arith.muli %arg1, %mul3A_18 : i32
    "tpu.region"() ({
      %run_scoped3A = tpu.sem_alloc : memref<!tpu.dma_semaphore, #tpu.memory_space<semaphore_mem>>
      %dma_start3A = arith.constant 0 : i32
      %dma_start3A_22 = tpu.memref_slice %arg8[%mul3A_19, %dma_start3A] : memref<10112x64xf32, #tpu.memory_space<vmem_shared>> -> memref<632x64xf32, #tpu.memory_space<vmem_shared>>
      %dma_start3A_23 = arith.constant 0 : i32
      %dma_start3A_24 = tpu.memref_slice %arg8[%mul3A_19, %dma_start3A_23] : memref<10112x64xf32, #tpu.memory_space<vmem_shared>> -> memref<632x64xf32, #tpu.memory_space<vmem_shared>>
      tpu.enqueue_dma source(%dma_start3A_24 : memref<632x64xf32, #tpu.memory_space<vmem_shared>>) target(%arg7 : memref<632x64xf32, #tpu.memory_space<vmem>>) target_semaphore(%run_scoped3A : memref<!tpu.dma_semaphore, #tpu.memory_space<semaphore_mem>>)
      %dma_wait3A = arith.constant 0 : i32
      %dma_wait3A_25 = tpu.memref_slice %arg8[%mul3A_19, %dma_wait3A] : memref<10112x64xf32, #tpu.memory_space<vmem_shared>> -> memref<632x64xf32, #tpu.memory_space<vmem_shared>>
      %dma_wait3A_26 = arith.constant 0 : i32
      %dma_wait3A_27 = tpu.memref_slice %arg8[%mul3A_19, %dma_wait3A_26] : memref<10112x64xf32, #tpu.memory_space<vmem_shared>> -> memref<632x64xf32, #tpu.memory_space<vmem_shared>>
      tpu.wait_dma2 semaphore(%run_scoped3A : memref<!tpu.dma_semaphore, #tpu.memory_space<semaphore_mem>>) src(%dma_wait3A_27 : memref<632x64xf32, #tpu.memory_space<vmem_shared>>) dst(%arg7 : memref<632x64xf32, #tpu.memory_space<vmem>>)
      tpu.yield
    }) : () -> ()
    %mul3A_20 = arith.constant 632 : i32
    %mul3A_21 = arith.muli %arg1, %mul3A_20 : i32
    "tpu.region"() ({
      %run_scoped3A = tpu.sem_alloc : memref<!tpu.dma_semaphore, #tpu.memory_space<semaphore_mem>>
      %dma_start3A = arith.constant 0 : i32
      %dma_start3A_22 = tpu.memref_slice %arg4[%arg0, %mul3A_21, %dma_start3A] : memref<2x10112x64xf32, #tpu.memory_space<hbm>> -> memref<1x632x64xf32, #tpu.memory_space<hbm>>
      %dma_start3A_23 = tpu.memref_squeeze %dma_start3A_22 : memref<1x632x64xf32, #tpu.memory_space<hbm>> -> memref<632x64xf32, #tpu.memory_space<hbm>>
      %dma_start3A_24 = arith.constant 0 : i32
      %dma_start3A_25 = tpu.memref_slice %arg4[%arg0, %mul3A_21, %dma_start3A_24] : memref<2x10112x64xf32, #tpu.memory_space<hbm>> -> memref<1x632x64xf32, #tpu.memory_space<hbm>>
      %dma_start3A_26 = tpu.memref_squeeze %dma_start3A_25 : memref<1x632x64xf32, #tpu.memory_space<hbm>> -> memref<632x64xf32, #tpu.memory_space<hbm>>
      tpu.enqueue_dma source(%arg7 : memref<632x64xf32, #tpu.memory_space<vmem>>) target(%dma_start3A_26 : memref<632x64xf32, #tpu.memory_space<hbm>>) target_semaphore(%run_scoped3A : memref<!tpu.dma_semaphore, #tpu.memory_space<semaphore_mem>>)
      %dma_wait3A = arith.constant 0 : i32
      %dma_wait3A_27 = tpu.memref_slice %arg4[%arg0, %mul3A_21, %dma_wait3A] : memref<2x10112x64xf32, #tpu.memory_space<hbm>> -> memref<1x632x64xf32, #tpu.memory_space<hbm>>
      %dma_wait3A_28 = tpu.memref_squeeze %dma_wait3A_27 : memref<1x632x64xf32, #tpu.memory_space<hbm>> -> memref<632x64xf32, #tpu.memory_space<hbm>>
      %dma_wait3A_29 = arith.constant 0 : i32
      %dma_wait3A_30 = tpu.memref_slice %arg4[%arg0, %mul3A_21, %dma_wait3A_29] : memref<2x10112x64xf32, #tpu.memory_space<hbm>> -> memref<1x632x64xf32, #tpu.memory_space<hbm>>
      %dma_wait3A_31 = tpu.memref_squeeze %dma_wait3A_30 : memref<1x632x64xf32, #tpu.memory_space<hbm>> -> memref<632x64xf32, #tpu.memory_space<hbm>>
      tpu.wait_dma2 semaphore(%run_scoped3A : memref<!tpu.dma_semaphore, #tpu.memory_space<semaphore_mem>>) src(%arg7 : memref<632x64xf32, #tpu.memory_space<vmem>>) dst(%dma_wait3A_31 : memref<632x64xf32, #tpu.memory_space<hbm>>)
      tpu.yield
    }) : () -> ()
    return
  }
}

#map = affine_map<(d0, d1) -> (0, 0)>
#map1 = affine_map<(d0, d1) -> (0, 0, 0)>
module attributes {stable_mosaic.version = 14 : i64} {
  func.func @_sc_gather(%arg0: i32, %arg1: i32, %arg2: memref<10000x64xf32, #tpu.memory_space<hbm>>, %arg3: memref<2560x128xi32, #tpu.memory_space<hbm>>, %arg4: memref<2560x128x64xf32, #tpu.memory_space<hbm>>, %arg5: memref<80x128xi32, #tpu.memory_space<vmem>>, %arg6: memref<128x64xf32, #tpu.memory_space<vmem>>, %arg7: memref<!tpu.dma_semaphore, #tpu.memory_space<semaphore_mem>>) attributes {dimension_semantics = [#tpu.dimension_semantics<core_parallel>, #tpu.dimension_semantics<subcore_parallel>], iteration_bounds = array<i64: 2, 16>, scalar_prefetch = 0 : i64, scratch_operands = 3 : i64, tpu.core_type = #tpu.core_type<sc_vector_subcore>, window_params = [{transform_indices = #map}, {transform_indices = #map}, {transform_indices = #map1}]} {
    %mul3A = arith.constant 2 : i32
    %mul3A_0 = arith.muli %arg1, %mul3A : i32
    %add3A = arith.addi %mul3A_0, %arg0 : i32
    %mul3A_1 = arith.constant 80 : i32
    %mul3A_2 = arith.muli %add3A, %mul3A_1 : i32
    "tpu.region"() ({
      %run_scoped3A = tpu.sem_alloc : memref<!tpu.dma_semaphore, #tpu.memory_space<semaphore_mem>>
      %dma_start3A = arith.constant 0 : i32
      %dma_start3A_8 = tpu.memref_slice %arg3[%mul3A_2, %dma_start3A] : memref<2560x128xi32, #tpu.memory_space<hbm>> -> memref<80x128xi32, #tpu.memory_space<hbm>>
      %dma_start3A_9 = arith.constant 0 : i32
      %dma_start3A_10 = tpu.memref_slice %arg3[%mul3A_2, %dma_start3A_9] : memref<2560x128xi32, #tpu.memory_space<hbm>> -> memref<80x128xi32, #tpu.memory_space<hbm>>
      tpu.enqueue_dma source(%dma_start3A_10 : memref<80x128xi32, #tpu.memory_space<hbm>>) target(%arg5 : memref<80x128xi32, #tpu.memory_space<vmem>>) target_semaphore(%run_scoped3A : memref<!tpu.dma_semaphore, #tpu.memory_space<semaphore_mem>>)
      %dma_wait3A = arith.constant 0 : i32
      %dma_wait3A_11 = tpu.memref_slice %arg3[%mul3A_2, %dma_wait3A] : memref<2560x128xi32, #tpu.memory_space<hbm>> -> memref<80x128xi32, #tpu.memory_space<hbm>>
      %dma_wait3A_12 = arith.constant 0 : i32
      %dma_wait3A_13 = tpu.memref_slice %arg3[%mul3A_2, %dma_wait3A_12] : memref<2560x128xi32, #tpu.memory_space<hbm>> -> memref<80x128xi32, #tpu.memory_space<hbm>>
      tpu.wait_dma2 semaphore(%run_scoped3A : memref<!tpu.dma_semaphore, #tpu.memory_space<semaphore_mem>>) src(%dma_wait3A_13 : memref<80x128xi32, #tpu.memory_space<hbm>>) dst(%arg5 : memref<80x128xi32, #tpu.memory_space<vmem>>)
      tpu.yield
    }) : () -> ()
    %scan3A = arith.constant 0 : i32
    %scan3A_3 = arith.constant 0 : i32
    %scan3A_4 = arith.constant 80 : i32
    %scan3A_5 = arith.addi %scan3A_3, %scan3A_4 : i32
    %scan3A_6 = arith.constant 1 : i32
    scf.for %scan3A_8 = %scan3A_3 to %scan3A_5 step %scan3A_6  : i32 {
      %dma_start3A = arith.constant 0 : i32
      %dma_start3A_9 = tpu.memref_slice %arg5[%scan3A_8, %dma_start3A] : memref<80x128xi32, #tpu.memory_space<vmem>> -> memref<1x128xi32, #tpu.memory_space<vmem>>
      %dma_start3A_10 = tpu.memref_squeeze %dma_start3A_9 : memref<1x128xi32, #tpu.memory_space<vmem>> -> memref<128xi32, #tpu.memory_space<vmem>>
      %dma_start3A_11 = arith.constant 0 : i32
      %dma_start3A_12 = arith.constant 0 : i32
      %dma_start3A_13 = tpu.memref_slice %arg2[%dma_start3A_11, %dma_start3A_12] : memref<10000x64xf32, #tpu.memory_space<hbm>> -> memref<10000x64xf32, #tpu.memory_space<hbm>>
      tpu.enqueue_indirect_dma source(%dma_start3A_13 : memref<10000x64xf32, #tpu.memory_space<hbm>>) target(%arg6 : memref<128x64xf32, #tpu.memory_space<vmem>>) offsets(%dma_start3A_10 : memref<128xi32, #tpu.memory_space<vmem>>) semaphore(%arg7 : memref<!tpu.dma_semaphore, #tpu.memory_space<semaphore_mem>>)
      %dma_wait3A = arith.constant 0 : i32
      %dma_wait3A_14 = tpu.memref_slice %arg5[%scan3A_8, %dma_wait3A] : memref<80x128xi32, #tpu.memory_space<vmem>> -> memref<1x128xi32, #tpu.memory_space<vmem>>
      %dma_wait3A_15 = tpu.memref_squeeze %dma_wait3A_14 : memref<1x128xi32, #tpu.memory_space<vmem>> -> memref<128xi32, #tpu.memory_space<vmem>>
      %dma_wait3A_16 = arith.constant 0 : i32
      %dma_wait3A_17 = arith.constant 0 : i32
      %dma_wait3A_18 = tpu.memref_slice %arg2[%dma_wait3A_16, %dma_wait3A_17] : memref<10000x64xf32, #tpu.memory_space<hbm>> -> memref<10000x64xf32, #tpu.memory_space<hbm>>
      tpu.wait_indirect_dma semaphore(%arg7 : memref<!tpu.dma_semaphore, #tpu.memory_space<semaphore_mem>>) src(%dma_wait3A_18 : memref<10000x64xf32, #tpu.memory_space<hbm>>) dst(%arg6 : memref<128x64xf32, #tpu.memory_space<vmem>>)
      %add3A_19 = arith.addi %mul3A_2, %scan3A_8 : i32
      "tpu.region"() ({
        %run_scoped3A = tpu.sem_alloc : memref<!tpu.dma_semaphore, #tpu.memory_space<semaphore_mem>>
        %dma_start3A_20 = arith.constant 0 : i32
        %dma_start3A_21 = arith.constant 0 : i32
        %dma_start3A_22 = tpu.memref_slice %arg4[%add3A_19, %dma_start3A_20, %dma_start3A_21] : memref<2560x128x64xf32, #tpu.memory_space<hbm>> -> memref<1x128x64xf32, #tpu.memory_space<hbm>>
        %dma_start3A_23 = tpu.memref_squeeze %dma_start3A_22 : memref<1x128x64xf32, #tpu.memory_space<hbm>> -> memref<128x64xf32, #tpu.memory_space<hbm>>
        %dma_start3A_24 = arith.constant 0 : i32
        %dma_start3A_25 = arith.constant 0 : i32
        %dma_start3A_26 = tpu.memref_slice %arg4[%add3A_19, %dma_start3A_24, %dma_start3A_25] : memref<2560x128x64xf32, #tpu.memory_space<hbm>> -> memref<1x128x64xf32, #tpu.memory_space<hbm>>
        %dma_start3A_27 = tpu.memref_squeeze %dma_start3A_26 : memref<1x128x64xf32, #tpu.memory_space<hbm>> -> memref<128x64xf32, #tpu.memory_space<hbm>>
        tpu.enqueue_dma source(%arg6 : memref<128x64xf32, #tpu.memory_space<vmem>>) target(%dma_start3A_27 : memref<128x64xf32, #tpu.memory_space<hbm>>) target_semaphore(%run_scoped3A : memref<!tpu.dma_semaphore, #tpu.memory_space<semaphore_mem>>)
        %dma_wait3A_28 = arith.constant 0 : i32
        %dma_wait3A_29 = arith.constant 0 : i32
        %dma_wait3A_30 = tpu.memref_slice %arg4[%add3A_19, %dma_wait3A_28, %dma_wait3A_29] : memref<2560x128x64xf32, #tpu.memory_space<hbm>> -> memref<1x128x64xf32, #tpu.memory_space<hbm>>
        %dma_wait3A_31 = tpu.memref_squeeze %dma_wait3A_30 : memref<1x128x64xf32, #tpu.memory_space<hbm>> -> memref<128x64xf32, #tpu.memory_space<hbm>>
        %dma_wait3A_32 = arith.constant 0 : i32
        %dma_wait3A_33 = arith.constant 0 : i32
        %dma_wait3A_34 = tpu.memref_slice %arg4[%add3A_19, %dma_wait3A_32, %dma_wait3A_33] : memref<2560x128x64xf32, #tpu.memory_space<hbm>> -> memref<1x128x64xf32, #tpu.memory_space<hbm>>
        %dma_wait3A_35 = tpu.memref_squeeze %dma_wait3A_34 : memref<1x128x64xf32, #tpu.memory_space<hbm>> -> memref<128x64xf32, #tpu.memory_space<hbm>>
        tpu.wait_dma2 semaphore(%run_scoped3A : memref<!tpu.dma_semaphore, #tpu.memory_space<semaphore_mem>>) src(%arg6 : memref<128x64xf32, #tpu.memory_space<vmem>>) dst(%dma_wait3A_35 : memref<128x64xf32, #tpu.memory_space<hbm>>)
        tpu.yield
      }) : () -> ()
    }
    %scan3A_7 = arith.constant 80 : i32
    return
  }
}

module attributes {stable_mosaic.version = 14 : i64} {
  func.func @_node_body(%arg0: i32, %arg1: memref<1000x128xf32, #tpu.memory_space<vmem>>, %arg2: memref<1000x1xf32, #tpu.memory_space<vmem>>, %arg3: memref<8x16xf32, #tpu.memory_space<vmem>>, %arg4: memref<128x64xf32, #tpu.memory_space<vmem>>, %arg5: memref<16x64xf32, #tpu.memory_space<vmem>>, %arg6: memref<1x64xf32, #tpu.memory_space<vmem>>, %arg7: memref<1000x64xf32, #tpu.memory_space<vmem>>) attributes {dimension_semantics = [#tpu.dimension_semantics<arbitrary>], iteration_bounds = array<i64: 10>, scalar_prefetch = 0 : i64, scratch_operands = 0 : i64, tpu.core_type = #tpu.core_type<tc>, window_params = [{transform_indices = @transform_0, window_bounds = array<i64: 1000, 128>}, {transform_indices = @transform_1, window_bounds = array<i64: 1000, 1>}, {pipeline_mode = #tpu.pipeline_mode<synchronous>, transform_indices = @transform_2, window_bounds = array<i64: 8, 16>}, {pipeline_mode = #tpu.pipeline_mode<synchronous>, transform_indices = @transform_3, window_bounds = array<i64: 128, 64>}, {pipeline_mode = #tpu.pipeline_mode<synchronous>, transform_indices = @transform_4, window_bounds = array<i64: 16, 64>}, {pipeline_mode = #tpu.pipeline_mode<synchronous>, transform_indices = @transform_5, window_bounds = array<i64: 1, 64>}, {transform_indices = @transform_6, window_bounds = array<i64: 1000, 64>}]} {
    %get3A = arith.constant 0 : index
    %get3A_0 = arith.constant 0 : index
    %get3A_1 = vector.load %arg3[%get3A, %get3A_0] : memref<8x16xf32, #tpu.memory_space<vmem>>, vector<8x16xf32>
    %get3A_2 = arith.constant 0 : index
    %get3A_3 = arith.constant 0 : index
    %get3A_4 = vector.load %arg5[%get3A_2, %get3A_3] : memref<16x64xf32, #tpu.memory_space<vmem>>, vector<16x64xf32>
    %dot_general3A = arith.constant dense<0.000000e+00> : vector<8x64xf32>
    %dot_general3A_5 = tpu.matmul %get3A_1, %get3A_4, %dot_general3A {dimension_numbers = #tpu.dot_dimension_numbers<[1], [0], [0], [1], [0, 0, 1, 1], [], []>, transpose_lhs_hint = false} : vector<8x16xf32>, vector<16x64xf32>, vector<8x64xf32> -> vector<8x64xf32>
    %get3A_6 = arith.constant 0 : index
    %get3A_7 = arith.constant 0 : index
    %get3A_8 = vector.load %arg2[%get3A_6, %get3A_7] : memref<1000x1xf32, #tpu.memory_space<vmem>>, vector<1000x1xf32>
    %convert_element_type3A = arith.fptosi %get3A_8 : vector<1000x1xf32> to vector<1000x1xi32>
    %iota3A = tpu.iota {dimensions = array<i32: 1>} : vector<1000x8xi32>
    %eq3A = vector.broadcast %convert_element_type3A : vector<1000x1xi32> to vector<1000x8xi32>
    %eq3A_9 = arith.cmpi eq, %iota3A, %eq3A : vector<1000x8xi32>
    %convert_element_type3A_10 = arith.extui %eq3A_9 : vector<1000x8xi1> to vector<1000x8xi32>
    %convert_element_type3A_11 = arith.sitofp %convert_element_type3A_10 : vector<1000x8xi32> to vector<1000x8xf32>
    %get3A_12 = arith.constant 0 : index
    %get3A_13 = arith.constant 0 : index
    %get3A_14 = vector.load %arg1[%get3A_12, %get3A_13] : memref<1000x128xf32, #tpu.memory_space<vmem>>, vector<1000x128xf32>
    %get3A_15 = arith.constant 0 : index
    %get3A_16 = arith.constant 0 : index
    %get3A_17 = vector.load %arg4[%get3A_15, %get3A_16] : memref<128x64xf32, #tpu.memory_space<vmem>>, vector<128x64xf32>
    %dot_general3A_18 = arith.constant dense<0.000000e+00> : vector<1000x64xf32>
    %dot_general3A_19 = tpu.matmul %get3A_14, %get3A_17, %dot_general3A_18 {dimension_numbers = #tpu.dot_dimension_numbers<[1], [0], [0], [1], [0, 0, 1, 1], [], []>, transpose_lhs_hint = false} : vector<1000x128xf32>, vector<128x64xf32>, vector<1000x64xf32> -> vector<1000x64xf32>
    %dot_general3A_20 = arith.constant dense<0.000000e+00> : vector<1000x64xf32>
    %dot_general3A_21 = tpu.matmul %convert_element_type3A_11, %dot_general3A_5, %dot_general3A_20 {dimension_numbers = #tpu.dot_dimension_numbers<[1], [0], [0], [1], [0, 0, 1, 1], [], []>, transpose_lhs_hint = false} : vector<1000x8xf32>, vector<8x64xf32>, vector<1000x64xf32> -> vector<1000x64xf32>
    %add3A = arith.addf %dot_general3A_19, %dot_general3A_21 : vector<1000x64xf32>
    %get3A_22 = arith.constant 0 : index
    %get3A_23 = arith.constant 0 : index
    %get3A_24 = vector.load %arg6[%get3A_22, %get3A_23] : memref<1x64xf32, #tpu.memory_space<vmem>>, vector<1x64xf32>
    %add3A_25 = vector.broadcast %get3A_24 : vector<1x64xf32> to vector<1000x64xf32>
    %add3A_26 = arith.addf %add3A, %add3A_25 : vector<1000x64xf32>
    %swap3A = arith.constant 0 : index
    %swap3A_27 = arith.constant 0 : index
    %swap3A_28 = vector.load %arg7[%swap3A, %swap3A_27] : memref<1000x64xf32, #tpu.memory_space<vmem>>, vector<1000x64xf32>
    tpu.vector_store %arg7[%swap3A, %swap3A_27], %add3A_26 {strides = array<i32>} : memref<1000x64xf32, #tpu.memory_space<vmem>>, vector<1000x64xf32>,
    return
  }
  func.func @transform_0(%arg0: i32) -> (i32, i32) {
    %c0_i32 = arith.constant 0 : i32
    %c0_i32_0 = arith.constant 0 : i32
    return %arg0, %c0_i32 : i32, i32
  }
  func.func @transform_1(%arg0: i32) -> (i32, i32) {
    %c0_i32 = arith.constant 0 : i32
    %c0_i32_0 = arith.constant 0 : i32
    return %arg0, %c0_i32 : i32, i32
  }
  func.func @transform_2(%arg0: i32) -> (i32, i32) {
    %c0_i32 = arith.constant 0 : i32
    %c0_i32_0 = arith.constant 0 : i32
    %c0_i32_1 = arith.constant 0 : i32
    return %c0_i32, %c0_i32_0 : i32, i32
  }
  func.func @transform_3(%arg0: i32) -> (i32, i32) {
    %c0_i32 = arith.constant 0 : i32
    %c0_i32_0 = arith.constant 0 : i32
    %c0_i32_1 = arith.constant 0 : i32
    return %c0_i32, %c0_i32_0 : i32, i32
  }
  func.func @transform_4(%arg0: i32) -> (i32, i32) {
    %c0_i32 = arith.constant 0 : i32
    %c0_i32_0 = arith.constant 0 : i32
    %c0_i32_1 = arith.constant 0 : i32
    return %c0_i32, %c0_i32_0 : i32, i32
  }
  func.func @transform_5(%arg0: i32) -> (i32, i32) {
    %c0_i32 = arith.constant 0 : i32
    %c0_i32_0 = arith.constant 0 : i32
    %c0_i32_1 = arith.constant 0 : i32
    return %c0_i32, %c0_i32_0 : i32, i32
  }
  func.func @transform_6(%arg0: i32) -> (i32, i32) {
    %c0_i32 = arith.constant 0 : i32
    %c0_i32_0 = arith.constant 0 : i32
    return %arg0, %c0_i32 : i32, i32
  }
}

module attributes {stable_mosaic.version = 14 : i64} {
  func.func @_mlp_body(%arg0: i32, %arg1: memref<4096x64xf32, #tpu.memory_space<vmem>>, %arg2: memref<4096x16xf32, #tpu.memory_space<vmem>>, %arg3: memref<16x64xf32, #tpu.memory_space<vmem>>, %arg4: memref<64x64xf32, #tpu.memory_space<vmem>>, %arg5: memref<1x64xf32, #tpu.memory_space<vmem>>, %arg6: memref<4096x64xf32, #tpu.memory_space<vmem>>) attributes {dimension_semantics = [#tpu.dimension_semantics<arbitrary>], iteration_bounds = array<i64: 80>, scalar_prefetch = 0 : i64, scratch_operands = 0 : i64, tpu.core_type = #tpu.core_type<tc>, window_params = [{transform_indices = @transform_0, window_bounds = array<i64: 4096, 64>}, {transform_indices = @transform_1, window_bounds = array<i64: 4096, 16>}, {pipeline_mode = #tpu.pipeline_mode<synchronous>, transform_indices = @transform_2, window_bounds = array<i64: 16, 64>}, {pipeline_mode = #tpu.pipeline_mode<synchronous>, transform_indices = @transform_3, window_bounds = array<i64: 64, 64>}, {pipeline_mode = #tpu.pipeline_mode<synchronous>, transform_indices = @transform_4, window_bounds = array<i64: 1, 64>}, {transform_indices = @transform_5, window_bounds = array<i64: 4096, 64>}]} {
    %get3A = arith.constant 0 : index
    %get3A_0 = arith.constant 0 : index
    %get3A_1 = vector.load %arg1[%get3A, %get3A_0] : memref<4096x64xf32, #tpu.memory_space<vmem>>, vector<4096x64xf32>
    %get3A_2 = arith.constant 0 : index
    %get3A_3 = arith.constant 0 : index
    %get3A_4 = vector.load %arg2[%get3A_2, %get3A_3] : memref<4096x16xf32, #tpu.memory_space<vmem>>, vector<4096x16xf32>
    %get3A_5 = arith.constant 0 : index
    %get3A_6 = arith.constant 0 : index
    %get3A_7 = vector.load %arg3[%get3A_5, %get3A_6] : memref<16x64xf32, #tpu.memory_space<vmem>>, vector<16x64xf32>
    %dot_general3A = arith.constant dense<0.000000e+00> : vector<4096x64xf32>
    %dot_general3A_8 = tpu.matmul %get3A_4, %get3A_7, %dot_general3A {dimension_numbers = #tpu.dot_dimension_numbers<[1], [0], [0], [1], [0, 0, 1, 1], [], []>, transpose_lhs_hint = false} : vector<4096x16xf32>, vector<16x64xf32>, vector<4096x64xf32> -> vector<4096x64xf32>
    %add3A = arith.addf %get3A_1, %dot_general3A_8 : vector<4096x64xf32>
    %max3A = arith.constant 0.000000e+00 : f32
    %max3A_9 = vector.broadcast %max3A : f32 to vector<4096x64xf32>
    %max3A_10 = arith.maximumf %add3A, %max3A_9 : vector<4096x64xf32>
    %get3A_11 = arith.constant 0 : index
    %get3A_12 = arith.constant 0 : index
    %get3A_13 = vector.load %arg4[%get3A_11, %get3A_12] : memref<64x64xf32, #tpu.memory_space<vmem>>, vector<64x64xf32>
    %dot_general3A_14 = arith.constant dense<0.000000e+00> : vector<4096x64xf32>
    %dot_general3A_15 = tpu.matmul %max3A_10, %get3A_13, %dot_general3A_14 {dimension_numbers = #tpu.dot_dimension_numbers<[1], [0], [0], [1], [0, 0, 1, 1], [], []>, transpose_lhs_hint = false} : vector<4096x64xf32>, vector<64x64xf32>, vector<4096x64xf32> -> vector<4096x64xf32>
    %get3A_16 = arith.constant 0 : index
    %get3A_17 = arith.constant 0 : index
    %get3A_18 = vector.load %arg5[%get3A_16, %get3A_17] : memref<1x64xf32, #tpu.memory_space<vmem>>, vector<1x64xf32>
    %add3A_19 = vector.broadcast %get3A_18 : vector<1x64xf32> to vector<4096x64xf32>
    %add3A_20 = arith.addf %dot_general3A_15, %add3A_19 : vector<4096x64xf32>
    %max3A_21 = arith.constant 0.000000e+00 : f32
    %max3A_22 = vector.broadcast %max3A_21 : f32 to vector<4096x64xf32>
    %max3A_23 = arith.maximumf %add3A_20, %max3A_22 : vector<4096x64xf32>
    %swap3A = arith.constant 0 : index
    %swap3A_24 = arith.constant 0 : index
    %swap3A_25 = vector.load %arg6[%swap3A, %swap3A_24] : memref<4096x64xf32, #tpu.memory_space<vmem>>, vector<4096x64xf32>
    tpu.vector_store %arg6[%swap3A, %swap3A_24], %max3A_23 {strides = array<i32>} : memref<4096x64xf32, #tpu.memory_space<vmem>>, vector<4096x64xf32>,
    return
  }
  func.func @transform_0(%arg0: i32) -> (i32, i32) {
    %c0_i32 = arith.constant 0 : i32
    %c0_i32_0 = arith.constant 0 : i32
    return %arg0, %c0_i32 : i32, i32
  }
  func.func @transform_1(%arg0: i32) -> (i32, i32) {
    %c0_i32 = arith.constant 0 : i32
    %c0_i32_0 = arith.constant 0 : i32
    return %arg0, %c0_i32 : i32, i32
  }
  func.func @transform_2(%arg0: i32) -> (i32, i32) {
    %c0_i32 = arith.constant 0 : i32
    %c0_i32_0 = arith.constant 0 : i32
    %c0_i32_1 = arith.constant 0 : i32
    return %c0_i32, %c0_i32_0 : i32, i32
  }
  func.func @transform_3(%arg0: i32) -> (i32, i32) {
    %c0_i32 = arith.constant 0 : i32
    %c0_i32_0 = arith.constant 0 : i32
    %c0_i32_1 = arith.constant 0 : i32
    return %c0_i32, %c0_i32_0 : i32, i32
  }
  func.func @transform_4(%arg0: i32) -> (i32, i32) {
    %c0_i32 = arith.constant 0 : i32
    %c0_i32_0 = arith.constant 0 : i32
    %c0_i32_1 = arith.constant 0 : i32
    return %c0_i32, %c0_i32_0 : i32, i32
  }
  func.func @transform_5(%arg0: i32) -> (i32, i32) {
    %c0_i32 = arith.constant 0 : i32
    %c0_i32_0 = arith.constant 0 : i32
    return %arg0, %c0_i32 : i32, i32
  }
}

module attributes {stable_mosaic.version = 14 : i64} {
  func.func @_sum_body(%arg0: i32, %arg1: memref<1000x64xf32, #tpu.memory_space<vmem>>, %arg2: memref<1000x64xf32, #tpu.memory_space<vmem>>, %arg3: memref<1000x64xf32, #tpu.memory_space<vmem>>) attributes {dimension_semantics = [#tpu.dimension_semantics<arbitrary>], iteration_bounds = array<i64: 10>, scalar_prefetch = 0 : i64, scratch_operands = 0 : i64, tpu.core_type = #tpu.core_type<tc>, window_params = [{transform_indices = @transform_0, window_bounds = array<i64: 1000, 64>}, {transform_indices = @transform_1, window_bounds = array<i64: 1000, 64>}, {transform_indices = @transform_2, window_bounds = array<i64: 1000, 64>}]} {
    %get3A = arith.constant 0 : index
    %get3A_0 = arith.constant 0 : index
    %get3A_1 = vector.load %arg1[%get3A, %get3A_0] : memref<1000x64xf32, #tpu.memory_space<vmem>>, vector<1000x64xf32>
    %get3A_2 = arith.constant 0 : index
    %get3A_3 = arith.constant 0 : index
    %get3A_4 = vector.load %arg2[%get3A_2, %get3A_3] : memref<1000x64xf32, #tpu.memory_space<vmem>>, vector<1000x64xf32>
    %add3A = arith.addf %get3A_1, %get3A_4 : vector<1000x64xf32>
    %swap3A = arith.constant 0 : index
    %swap3A_5 = arith.constant 0 : index
    %swap3A_6 = vector.load %arg3[%swap3A, %swap3A_5] : memref<1000x64xf32, #tpu.memory_space<vmem>>, vector<1000x64xf32>
    tpu.vector_store %arg3[%swap3A, %swap3A_5], %add3A {strides = array<i32>} : memref<1000x64xf32, #tpu.memory_space<vmem>>, vector<1000x64xf32>,
    return
  }
  func.func @transform_0(%arg0: i32) -> (i32, i32) {
    %c0_i32 = arith.constant 0 : i32
    %c0_i32_0 = arith.constant 0 : i32
    return %arg0, %c0_i32 : i32, i32
  }
  func.func @transform_1(%arg0: i32) -> (i32, i32) {
    %c0_i32 = arith.constant 0 : i32
    %c0_i32_0 = arith.constant 0 : i32
    return %arg0, %c0_i32 : i32, i32
  }
  func.func @transform_2(%arg0: i32) -> (i32, i32) {
    %c0_i32 = arith.constant 0 : i32
    %c0_i32_0 = arith.constant 0 : i32
    return %arg0, %c0_i32 : i32, i32
  }
}

</mosaic_0001>

<sc_bundles>
// kernel: kernel.10.cloned.1.call-start
scs
__scs_entry_jumppad:
0x0: {  	(pc) =	sbr.rel $0x88, $3  }
0x1: {  	(tag) =	ssettag $0x0;
	lr =	simm.s32 $0x1  }
0x2: {  	[smem:$0x3F99] =	sst lr;
	_ =	strace $0xD0000000  }
0x3: {  	_ = 	snop  }
0x4: {  	_ = 	snop  }
0x5: {  	_ = 	snop  }
0x6: {  	_ = 	snop  }
0x7: {  	_ = 	snop  }
__scs_overlays_trampoline_lowered:
0x8: {  	[smem:$0x3FA8] =	sst s0  }
0x9: {  	[smem:$0x3FA9] =	sst s1  }
0xa: {  	[smem:$0x3FAA] =	sst s2  }
0xb: {  	[smem:$0x3FAB] =	sst s3  }
0xc: {  	[smem:$0x3FAC] =	sst s4  }
0xd: {  	[smem:$0x3FAD] =	sst s5  }
0xe: {  	[smem:$0x3FAE] =	sst s6  }
0xf: {  	[smem:$0x3FAF] =	sst s7  }
0x10: {  	[smem:$0x3FB0] =	sst s8  }
0x11: {  	[smem:$0x3FB1] =	sst s9;
	s0 =	simm.s32 @!p0 $0x0  }
0x12: {  	s1 =	sld [smem:$0x3F97];
	s0 =	simm.s32 @p0 $0x1  }
0x13: {  	[smem:$0x3FB2] =	sst s0;
	s0 =	simm.s32 @!p1 $0x0  }
0x14: {  	s2 =	sld [smem:$0x3F96];
	s0 =	simm.s32 @p1 $0x1  }
0x15: {  	[smem:$0x3FB3] =	sst s0;
	s0 =	simm.s32 @!p2 $0x0  }
0x16: {  	s3 =	sld [smem:$0x3FDB];
	s0 =	simm.s32 @p2 $0x1  }
0x17: {  	s4 =	simm.s32 $0x1BF5;
	[smem:$0x3FB5] =	sst s0  }
0x18: {  	s0 =	sld [smem:$0x3F98];
	_ =	swait.ge [sflag:s4], $0x0  }
0x19: {  	s7 =	sld [smem:$0x3F99]  }
0x1a: {  	s8 =	sadd.s32 $0xFFFFE003, lr  }
0x1b: {  	s9 =	sadd.s32 $0xFFFFFEF7, lr;
	s5 =	simm.s32 $0xFFFFFFFF;
	p2 =	slt.u32 s8, $0xFFFFF086  }
0x1c: {  	p1 =	slt.u32 s9, $0xF7A;
	s5 =	simm.s32 @!p2 $0x0  }
0x1d: {  	s5 =	simm.s32 @p1 $0x1;
	p0 =	seq.s32 s7, s2  }
0x1e: {  	s7 =	smul.u32 @!p0 $0xF7A, s2;
	p2 =	seq.s32 @!p0 s5, $0x0  }
0x1f: {  	s9 =	smul.u32 $0xF7A, s1;
	s8 =	simm.s32 @!p0 $0x1BF5;
	p2 =	por !p2, p0  }
0x20: {  	[sflag:s8] =	ssyncset.s32 @!p0 $0xFFFFF086;
	s6 =	sadd.s32 @!p0 s3, s7;
	s7 =	simm.s32 @!p0 $0x108  }
0x21: {  	s3 =	sadd.s32 s3, s9;
	s6 =	sadd.s32 @!p0 $0x88, s6;
	s7 =	simm.s32 @p2 $0x1082  }
0x22: {  	[simem:s7], [sflag:s8] =	dma.local @!p0 [hbm:s6], $0xF7A  }
0x23: {  	s9 =	sor.u32 $0xD0000000, s2;
	s6 =	simm.s32 $0x108;
	_ =	swait.ge @!p0 [sflag:s8], $0x0  }
0x24: {  	s3 =	sadd.s32 $0x88, s3;
	s6 =	simm.s32 @!p1 $0x1082;
	[sflag:s4] =	ssyncset.s32 $0xFFFFF086  }
0x25: {  	[simem:s6], [sflag:s4] =	dma.local [hbm:s3], $0xF7A  }
0x26: {  	[smem:$0x3F99] =	sst s1;
	(tag) =	ssettag s2;
	_ =	strace s9  }
0x27: {  	s1 =	sld [smem:$0x3FA9]  }
0x28: {  	s2 =	sld [smem:$0x3FAA]  }
0x29: {  	s4 =	sld [smem:$0x3FAC]  }
0x2a: {  	p0 =	seq.s32 s5, $0x0;
	s5 =	sld [smem:$0x3FAD]  }
0x2b: {  	s6 =	sld [smem:$0x3FAE]  }
0x2c: {  	s7 =	sld [smem:$0x3FAF]  }
0x2d: {  	s3 =	simm.s32 $0x108;
	s8 =	sld [smem:$0x3FB0]  }
0x2e: {  	s3 =	simm.s32 @!p0 $0x1082;
	s9 =	sld [smem:$0x3FB1]  }
0x2f: {  	lr =	sadd.s32 s0, s3;
	s0 =	sld [smem:$0x3FA8]  }
0x30: {  	s3 =	sld [smem:$0x3FAB]  }
0x31: {  	[smem:$0x3FB4] =	sst s10  }
0x32: {  	s10 =	sld [smem:$0x3FB2];
	_ =	sdelay $0x3  }
0x33: {  	p0 =	seq.s32 s10, $0x1;
	s10 =	sld [smem:$0x3FB4];
	_ =	sdelay $0x3  }
0x34: {  	[smem:$0x3FB4] =	sst s10  }
0x35: {  	s10 =	sld [smem:$0x3FB3];
	_ =	sdelay $0x3  }
0x36: {  	p1 =	seq.s32 s10, $0x1;
	s10 =	sld [smem:$0x3FB4];
	_ =	sdelay $0x3  }
0x37: {  	[smem:$0x3FB4] =	sst s10  }
0x38: {  	s10 =	sld [smem:$0x3FB5]  }
0x39: {  	_ = 	snop;
	(pc) =	sbr.ind lr, $3  }
0x3a: {  	_ = 	snop  }
0x3b: {  	_ = 	snop  }
0x3c: {  	p2 =	seq.s32 s10, $0x1;
	s10 =	sld [smem:$0x3FB4]  }
0x3d: {  	_ =	shalt  }
0x3e: {  	_ =	shalt  }
0x3f: {  	_ =	shalt  }
0x40: {  	_ =	shalt  }
0x41: {  	_ =	shalt  }
0x42: {  	_ =	shalt  }
0x43: {  	_ =	shalt  }
0x44: {  	_ =	shalt  }
0x45: {  	_ =	shalt  }
0x46: {  	_ =	shalt  }
0x47: {  	_ =	shalt  }
0x48: {  	_ =	shalt  }
0x49: {  	_ =	shalt  }
0x4a: {  	_ =	shalt  }
0x4b: {  	_ =	shalt  }
0x4c: {  	_ =	shalt  }
0x4d: {  	_ =	shalt  }
0x4e: {  	_ =	shalt  }
0x4f: {  	_ =	shalt  }
0x50: {  	_ =	shalt  }
0x51: {  	_ =	shalt  }
0x52: {  	_ =	shalt  }
0x53: {  	_ =	shalt  }
0x54: {  	_ =	shalt  }
0x55: {  	_ =	shalt  }
0x56: {  	_ =	shalt  }
0x57: {  	_ =	shalt  }
0x58: {  	_ =	shalt  }
0x59: {  	_ =	shalt  }
0x5a: {  	_ =	shalt  }
0x5b: {  	_ =	shalt  }
0x5c: {  	_ =	shalt  }
0x5d: {  	_ =	shalt  }
0x5e: {  	_ =	shalt  }
0x5f: {  	_ =	shalt  }
0x60: {  	_ =	shalt  }
0x61: {  	_ =	shalt  }
0x62: {  	_ =	shalt  }
0x63: {  	_ =	shalt  }
0x64: {  	_ =	shalt  }
0x65: {  	_ =	shalt  }
0x66: {  	_ =	shalt  }
0x67: {  	_ =	shalt  }
0x68: {  	_ =	shalt  }
0x69: {  	_ =	shalt  }
0x6a: {  	_ =	shalt  }
0x6b: {  	_ =	shalt  }
0x6c: {  	_ =	shalt  }
0x6d: {  	_ =	shalt  }
0x6e: {  	_ =	shalt  }
0x6f: {  	_ =	shalt  }
0x70: {  	_ =	shalt  }
0x71: {  	_ =	shalt  }
0x72: {  	_ =	shalt  }
0x73: {  	_ =	shalt  }
0x74: {  	_ =	shalt  }
0x75: {  	_ =	shalt  }
0x76: {  	_ =	shalt  }
0x77: {  	_ =	shalt  }
0x78: {  	_ =	shalt  }
0x79: {  	_ =	shalt  }
0x7a: {  	_ =	shalt  }
0x7b: {  	_ =	shalt  }
0x7c: {  	_ =	shalt  }
0x7d: {  	_ =	shalt  }
0x7e: {  	_ =	shalt  }
0x7f: {  	_ =	shalt  }
0x80: {  	_ =	shalt  }
0x81: {  	_ =	shalt  }
0x82: {  	_ =	shalt  }
0x83: {  	_ =	shalt  }
0x84: {  	_ =	shalt  }
0x85: {  	_ =	shalt  }
0x86: {  	_ =	shalt  }
0x87: {  	_ =	shalt  }
.Lfunc_end0:
.L_simem_size_0:
called_computation.1_lowered:
.L_overlay_start_0:
0x88: {  	s2 =	sld [smem:$0x3FD9]  }
0x89: {  	s3 =	sld [smem:$0x3FFE];
	_ =	sdelay $0x1  }
0x8a: {  	s1 =	srdreg.scid  }
0x8b: {  	s0 =	sand.u32 $0x1, s1  }
0x8c: {  	s16 =	sshll.u32 s0, $0xA;
	s2 =	sadd.s32 s3, s2  }
0x8d: {  	s2 =	sadd.s32 s2, s16  }
0x8e: {  	[smem:$0x3FC0] =	sst s2  }
0x8f: {  	_ = 	snop  }
0x90: {  	(tm) =	ssettm $0x1  }
0x91: {  	s17 =	sld [smem:$0x3FFB];
	_ =	sdelay $0x3  }
0x92: {  	_ =	strace s17  }
0x93: {  	s2 =	sld [smem:$0x3FFC];
	_ =	sdelay $0x3  }
0x94: {  	_ =	strace s2  }
0x95: {  	s2 =	sld [smem:$0x3FFD];
	_ =	sdelay $0x3  }
0x96: {  	_ =	strace s2  }
0x97: {  	_ =	strace $0x8FFFFFFF  }
0x98: {  	s18 =	sld [smem:$0x3FDB];
	_ =	sdelay $0x1  }
0x99: {  	s19 =	simm.s32 $_scs_section_size  }
0x9a: {  	s4 =	simm.s32 $_size__tile_overlayer_lowered;
	s5 =	simm.s32 $_tile_overlayer_lowered  }
0x9b: {  	s22 =	simm.s32 $0x1BFF;
	s21 =	sshll.u32 s5, $0x1;
	s2 =	sadd.s32 s19, s18  }
0x9c: {  	s6 =	simm.s32 $0x0;
	s20 =	sshll.u32 s4, $0x1;
	s4 =	sadd.s32 s21, s2  }
0x9d: {  	[timem:s6], [sflag:s22] =	dma.local [hbm:s4], s20  }
0x9e: {  	_ =	swait.ge [sflag:s22], s20  }
0x9f: {  	s3 =	ssub.s32 $0x0, s20;
	[sflag:s22] =	ssyncset.done $0x0  }
0xa0: {  	[sflag:s22] =	ssyncadd.s32 s3;
	_ =	sdelay $0x1  }
0xa1: {  	s23 =	simm.s32 $0x1B8B  }
0xa2: {  	_ =	swait.ge [sflag:s23], $0x1  }
0xa3: {  	[sflag:s23] =	ssyncset.done $0x0  }
0xa4: {  	s25 =	simm.s32 $0x1B8E;
	s24 =	sld [smem:$0x3FFE];
	[sflag:s23] =	ssyncadd.s32 $0xFFFFFFFF  }
0xa5: {  	s26 =	simm.s32 $execute0_lowered;
	[smem:$0x3FD2] =	sst s25  }
0xa6: {  	s4 =	sshll.u32 s26, $0x1;
	_ =	strace $0x80000049;
	[dreg:$0x1] =	wrdreg $0xFFFFFFFF  }
0xa7: {  	s28 =	simm.s32 $_size_execute0_lowered;
	s2 =	sadd.s32 s2, s4;
	[dreg:$0x0] =	wrdreg $0x0  }
0xa8: {  	s4 =	sshll.u32 s28, $0x1;
	[dreg:$0x2] =	wrdreg s2  }
0xa9: {  	[dreg:$0x3] =	wrdreg s4  }
0xaa: {  	[dreg:$0x4] =	wrdreg $0xC0  }
0xab: {  	_ =	task [dreg:s6], $0x5FFFF  }
0xac: {  	[dreg:$0x1] =	wrdreg $0xFFFFFFFF  }
0xad: {  	[dreg:$0x0] =	wrdreg $0x60  }
0xae: {  	[dreg:$0x2] =	wrdreg s24  }
0xaf: {  	[dreg:$0x3] =	wrdreg $0xE6000  }
0xb0: {  	[dreg:$0x4] =	wrdreg $0x9  }
0xb1: {  	_ =	task.clear_ibuf [dreg:s6], $0x5FFFF;
	_ =	strace $0x90000049  }
0xb2: {  	s29 =	simm.s32 $0x9;
	_ =	strace $0x8000004B  }
0xb3: {  	_ =	swait.ge [sflag:s29], $0x1  }
0xb4: {  	[sflag:s29] =	ssyncadd.s32 $0xFFFFFFFF  }
0xb5: {  	_ =	strace $0x9000004B  }
0xb6: {  	_ =	sfence  }
0xb7: {  	s30 =	sld [smem:$0x0];
	_ =	sdelay $0x2  }
0xb8: {  	s31 =	sshll.u32 s1, $0xD;
	s1 =	sshrl.u32 s1, $0x2  }
0xb9: {  	s3 =	sand.u32 $0x4000, s31;
	s1 =	sadd.s32 s1, s30  }
0xba: {  	s0 =	sor.u32 s3, s0;
	s1 =	sshll.u32 s1, $0x11  }
0xbb: {  	s0 =	sor.u32 s1, s0  }
0xbc: {  	s0 =	sadd.s32 $0x8F2B, s0  }
0xbd: {  	[sflag:s0] =	ssyncadd.remote.s32 $0x1  }
0xbe: {  	_ =	sfence.sel $0xFFFF  }
0xbf: {  	[dreg:$0x0] =	wrdreg $0xFFFFFFFF;
	(pc) =	sbr.abs _section_cstart, $3  }
0xc0: {  	[dreg:$0x1] =	wrdreg $0xFFFFFFFF  }
0xc1: {  	_ =	task.clear_ibuf [dreg:s6], $0x2FFFF;
	_ =	strace $0x9FFFFFFF  }
0xc2: {  	(tm) =	ssettm $0x7FFFFFFF  }
0xc3: {  	_ =	shalt  }
tec
execute0_lowered:
.L_overlay_start_1:
0x0: {  	(tag) =	ssettag $0x1  }
0x1: {  	s4 =	rddreg [dreg:$0x0]  }
0x2: {  	s2 =	rddreg [dreg:$0x1];
	s1 =	stileid.u32  }
0x3: {  	s3 =	srdreg.scid;
	s5 =	smul.u32 $0x28000, s1  }
0x4: {  	s0 =	rddreg [dreg:$0x2];
	s6 =	sand.u32 $0x1, s3;
	s8 =	smul.u32 $0x9E00, s1  }
0x5: {  	s13 =	simm.s32 $0x0;
	s7 =	sshll.u32 s1, $0x1;
	s9 =	smul.u32 $0x9E000, s6  }
0x6: {  	s3 =	simm.s32 $0x0;
	s7 =	sor.u32 s6, s7;
	s12 =	smul.u32 $0x14000, s6  }
0x7: {  	[smem:$0x7FF] =	sst s3;
	s29 =	ssub.s32 $0x2, s6;
	s7 =	smul.u32 $0x500, s7  }
0x8: {  	_ =	strace $0x8000004A;
	s10 =	sadd.s32 s5, s4;
	s30 =	sshrl.u32 s29, $0x1  }
0x9: {  	s28 =	sadd.s32 s8, s9;
	s9 =	ssub.s32 s29, s30;
	s31 =	sadd.s32 s12, s10  }
0xa: {  	s10 =	simm.s32 $0x1;
	s12 =	simm.s32 $0x80;
	s5 =	sshrl.u32 s28, $0x3  }
0xb: {  	s7 =	sadd.s32 s7, s4;
	s11 =	sadd.s32 s5, s4;
	s4 =	sadd.s32 s8, s2  }
0xc: {  	s5 =	sadd.s32 $0x297400, s7;
	s7 =	smax.u32 s9, $0x1;
	s8 =	sadd.s32 $0x3400, s31  }
0xd: {  	v0 =	vimm.f32 $0.0e+00;
	s9 =	simm.s32 $0x4800;
	s6 =	sadd.s32 $0x2A1400, s11;
	s11 =	simm.s32 $0x2800  }
.LBB2_1:
0xe: {  	s15 =	simm.s32 $0x100;
	s14 =	simm.s32 $0x0  }
.LBB2_2:
0xf: {  	p0 =	sne.s32 s15, $0x27700;
	[tilespmem:s14+$0x4830] =	vst v0;
	s16 =	smov.u32 s15;
	s15 =	sadd.s32 $0x100, s15  }
.Ltmp0:
0x10: {  	[tilespmem:s14+$0x4820] =	vst v0;
	(pc) =	sbr.rel @p0 .LBB2_2-.Ltmp0, $3  }
0x11: {  	[tilespmem:s14+$0x4800] =	vst v0  }
0x12: {  	[tilespmem:s14+$0x4810] =	vst v0;
	_ =	sdelay $0x1  }
0x13: {  	s14 =	sshra.s32 s16, $0x2  }
0x14: {  	[tilespmem:s14+$0x4830] =	vst v0  }
0x15: {  	[tilespmem:s14+$0x4820] =	vst v0  }
0x16: {  	[tilespmem:s14+$0x4800] =	vst v0  }
0x17: {  	[tilespmem:s14+$0x4810] =	vst v0  }
0x18: {  	[spmem:s4] =	stream.linear.scatter [tilespmem:s9], [sflag:$0x1], $0x9E00, $0x38;
	[tilespmem:$0x18400] =	vst v63  }
0x19: {  	_ =	swait.ge [sflag:s10], $0x9E00  }
0x1a: {  	[sflag:s10] =	ssyncset.done $0x0  }
0x1b: {  	[sflag:s10] =	ssyncadd.s32 $0xFFFF6200  }
0x1c: {  	s30 =	simm.s32 $0x0;
	[bflag:$0x0] =	sbarrier.arrive $0xFFFF  }
0x1d: {  	[tilespmem:s30], [sflag:$0x1] =	stream.linear.gather [hbm4b:s5+s30], $0x2800, $0x38;
	[tilespmem:$0x18400] =	vst v63  }
0x1e: {  	_ =	swait.ge [sflag:s10], $0x2800  }
0x1f: {  	[sflag:s10] =	ssyncset.done $0x0  }
0x20: {  	[sflag:s10] =	ssyncadd.s32 $0xFFFFD800  }
0x21: {  	[tilespmem:s11], [sflag:$0x1] =	stream.linear.gather [hbm4b:s8+s3], $0x2000, $0x38;
	[tilespmem:$0x18400] =	vst v63  }
0x22: {  	_ =	swait.ge [sflag:s10], $0x2000  }
0x23: {  	[sflag:s10] =	ssyncset.done $0x0  }
0x24: {  	s31 =	simm.s32 $0x0;
	[sflag:s10] =	ssyncadd.s32 $0xFFFFE000  }
0x25: {  	[spmem:s2] =	stream.indirect.scatter.add.f32 [tilespmem:s11], [sflag:$0x1], $0x40, s31, s12, $0xb8;
	[tilespmem:$0x18400] =	vst v63  }
0x26: {  	_ =	swait.ge [sflag:s10], $0x2000  }
0x27: {  	s14 =	simm.s32 $0x200;
	s15 =	smov.u32 s8;
	[sflag:s10] =	ssyncset.done $0x0  }
.LBB2_4:
0x28: {  	p0 =	sne.s32 s14, $0x9E00;
	[sflag:s10] =	ssyncadd.s32 $0xFFFFE000;
	s15 =	sadd.s32 $0x400, s15  }
0x29: {  	[tilespmem:s11], [sflag:$0x1] =	stream.linear.gather [hbm4b:s15+s3], $0x2000, $0x38;
	[tilespmem:$0x18400] =	vst v63  }
0x2a: {  	s16 =	smov.u32 s14;
	s14 =	sadd.s32 $0x200, s14;
	_ =	swait.ge [sflag:s10], $0x2000  }
.Ltmp1:
0x2b: {  	[sflag:s10] =	ssyncset.done $0x0;
	(pc) =	sbr.rel @p0 .LBB2_4-.Ltmp1, $4  }
0x2c: {  	s16 =	sshra.s32 s16, $0x2;
	[sflag:s10] =	ssyncadd.s32 $0xFFFFE000  }
0x2d: {  	[spmem:s2] =	stream.indirect.scatter.add.f32 [tilespmem:s11], [sflag:$0x1], $0x40, s16, s12, $0xb8;
	[tilespmem:$0x18400] =	vst v63  }
0x2e: {  	_ =	swait.ge [sflag:s10], $0x2000  }
0x2f: {  	[sflag:s10] =	ssyncset.done $0x0  }
0x30: {  	[sflag:s10] =	ssyncadd.s32 $0xFFFFE000  }
0x31: {  	[bflag:$0x0] =	sbarrier.arrive $0xFFFF  }
0x32: {  	[tilespmem:s9], [sflag:$0x1] =	stream.linear.gather [spmem:s4], $0x9E00, $0x38;
	[tilespmem:$0x18400] =	vst v63  }
0x33: {  	s13 =	sadd.s32 $0x1, s13;
	_ =	swait.ge [sflag:s10], $0x9E00  }
0x34: {  	p0 =	sne.s32 s13, s7;
	[sflag:s10] =	ssyncset.done $0x0  }
.Ltmp2:
0x35: {  	[sflag:s10] =	ssyncadd.s32 $0xFFFF6200;
	(pc) =	sbr.rel @p0 .LBB2_1-.Ltmp2, $4  }
0x36: {  	[hbm4b:s6+s3] =	stream.linear.scatter [tilespmem:s9], [sflag:$0x1], $0x9E00, $0x38;
	[tilespmem:$0x18400] =	vst v63  }
0x37: {  	_ =	swait.ge [sflag:s10], $0x9E00  }
0x38: {  	[sflag:s10] =	ssyncset.done $0x0  }
0x39: {  	[sflag:s10] =	ssyncadd.s32 $0xFFFF6200  }
0x3a: {  	_ =	sfence.sel $0x180000  }
0x3b: {  	[bflag:$0x0] =	sbarrier.arrive $0xFFFF  }
0x3c: {  	p0 =	sne.s32 s1, $0x0;
	_ =	strace $0x9000004A  }
0x3d: {  	s0 =	sadd.s32 @!p0 $0x100000, s0;
	[bflag:$0x2] =	sbarrier.arrive $0xFFFF  }
0x3e: {  	[sflag:s0] =	ssyncadd.tile.s32 @!p0 $0x1;
	_ =	shalt  }
.Lfunc_end2:
_tile_overlayer_lowered:
.L_overlay_start_2:
0x3f: {  	(tag) =	ssettag $0x2  }
0x40: {  	s0 =	rddreg [dreg:$0x0];
	s2 =	stileid.u32  }
0x41: {  	s1 =	rddreg [dreg:$0x1];
	p0 =	sne.s32 s2, $0x0  }
0x42: {  	s3 =	rddreg [dreg:$0x2];
	[bflag:$0x3] =	sbarrier.arrive $0xFFFF;
	s2 =	simm.s32 @!p0 $0x1C01  }
0x43: {  	[timem:s3], [sflag:s2] =	dma.local @!p0 [hbm:s0], s1  }
0x44: {  	s0 =	simm.s32 @!p0 $0x1  }
0x45: {  	_ =	swait.ge @!p0 [sflag:s0], s1  }
0x46: {  	s1 =	ssub.s32 @!p0 $0x0, s1;
	[sflag:s0] =	ssyncset.done @!p0 $0x0  }
0x47: {  	[sflag:s0] =	ssyncadd.s32 @!p0 s1  }
0x48: {  	[bflag:$0x3] =	sbarrier.arrive $0xFFFF  }
0x49: {  	_ =	shalt  }

// kernel: kernel.7.cloned.1.call-start
scs
__scs_entry_jumppad:
0x0: {  	(pc) =	sbr.rel $0x88, $3  }
0x1: {  	(tag) =	ssettag $0x0;
	lr =	simm.s32 $0x1  }
0x2: {  	[smem:$0x3F99] =	sst lr;
	_ =	strace $0xD0000000  }
0x3: {  	_ = 	snop  }
0x4: {  	_ = 	snop  }
0x5: {  	_ = 	snop  }
0x6: {  	_ = 	snop  }
0x7: {  	_ = 	snop  }
__scs_overlays_trampoline_lowered:
0x8: {  	[smem:$0x3FA8] =	sst s0  }
0x9: {  	[smem:$0x3FA9] =	sst s1  }
0xa: {  	[smem:$0x3FAA] =	sst s2  }
0xb: {  	[smem:$0x3FAB] =	sst s3  }
0xc: {  	[smem:$0x3FAC] =	sst s4  }
0xd: {  	[smem:$0x3FAD] =	sst s5  }
0xe: {  	[smem:$0x3FAE] =	sst s6  }
0xf: {  	[smem:$0x3FAF] =	sst s7  }
0x10: {  	[smem:$0x3FB0] =	sst s8  }
0x11: {  	[smem:$0x3FB1] =	sst s9;
	s0 =	simm.s32 @!p0 $0x0  }
0x12: {  	s1 =	sld [smem:$0x3F97];
	s0 =	simm.s32 @p0 $0x1  }
0x13: {  	[smem:$0x3FB2] =	sst s0;
	s0 =	simm.s32 @!p1 $0x0  }
0x14: {  	s2 =	sld [smem:$0x3F96];
	s0 =	simm.s32 @p1 $0x1  }
0x15: {  	[smem:$0x3FB3] =	sst s0;
	s0 =	simm.s32 @!p2 $0x0  }
0x16: {  	s3 =	sld [smem:$0x3FDB];
	s0 =	simm.s32 @p2 $0x1  }
0x17: {  	s4 =	simm.s32 $0x1BF5;
	[smem:$0x3FB5] =	sst s0  }
0x18: {  	s0 =	sld [smem:$0x3F98];
	_ =	swait.ge [sflag:s4], $0x0  }
0x19: {  	s7 =	sld [smem:$0x3F99]  }
0x1a: {  	s8 =	sadd.s32 $0xFFFFE003, lr  }
0x1b: {  	s9 =	sadd.s32 $0xFFFFFEF7, lr;
	s5 =	simm.s32 $0xFFFFFFFF;
	p2 =	slt.u32 s8, $0xFFFFF086  }
0x1c: {  	p1 =	slt.u32 s9, $0xF7A;
	s5 =	simm.s32 @!p2 $0x0  }
0x1d: {  	s5 =	simm.s32 @p1 $0x1;
	p0 =	seq.s32 s7, s2  }
0x1e: {  	s7 =	smul.u32 @!p0 $0xF7A, s2;
	p2 =	seq.s32 @!p0 s5, $0x0  }
0x1f: {  	s9 =	smul.u32 $0xF7A, s1;
	s8 =	simm.s32 @!p0 $0x1BF5;
	p2 =	por !p2, p0  }
0x20: {  	[sflag:s8] =	ssyncset.s32 @!p0 $0xFFFFF086;
	s6 =	sadd.s32 @!p0 s3, s7;
	s7 =	simm.s32 @!p0 $0x108  }
0x21: {  	s3 =	sadd.s32 s3, s9;
	s6 =	sadd.s32 @!p0 $0x88, s6;
	s7 =	simm.s32 @p2 $0x1082  }
0x22: {  	[simem:s7], [sflag:s8] =	dma.local @!p0 [hbm:s6], $0xF7A  }
0x23: {  	s9 =	sor.u32 $0xD0000000, s2;
	s6 =	simm.s32 $0x108;
	_ =	swait.ge @!p0 [sflag:s8], $0x0  }
0x24: {  	s3 =	sadd.s32 $0x88, s3;
	s6 =	simm.s32 @!p1 $0x1082;
	[sflag:s4] =	ssyncset.s32 $0xFFFFF086  }
0x25: {  	[simem:s6], [sflag:s4] =	dma.local [hbm:s3], $0xF7A  }
0x26: {  	[smem:$0x3F99] =	sst s1;
	(tag) =	ssettag s2;
	_ =	strace s9  }
0x27: {  	s1 =	sld [smem:$0x3FA9]  }
0x28: {  	s2 =	sld [smem:$0x3FAA]  }
0x29: {  	s4 =	sld [smem:$0x3FAC]  }
0x2a: {  	p0 =	seq.s32 s5, $0x0;
	s5 =	sld [smem:$0x3FAD]  }
0x2b: {  	s6 =	sld [smem:$0x3FAE]  }
0x2c: {  	s7 =	sld [smem:$0x3FAF]  }
0x2d: {  	s3 =	simm.s32 $0x108;
	s8 =	sld [smem:$0x3FB0]  }
0x2e: {  	s3 =	simm.s32 @!p0 $0x1082;
	s9 =	sld [smem:$0x3FB1]  }
0x2f: {  	lr =	sadd.s32 s0, s3;
	s0 =	sld [smem:$0x3FA8]  }
0x30: {  	s3 =	sld [smem:$0x3FAB]  }
0x31: {  	[smem:$0x3FB4] =	sst s10  }
0x32: {  	s10 =	sld [smem:$0x3FB2];
	_ =	sdelay $0x3  }
0x33: {  	p0 =	seq.s32 s10, $0x1;
	s10 =	sld [smem:$0x3FB4];
	_ =	sdelay $0x3  }
0x34: {  	[smem:$0x3FB4] =	sst s10  }
0x35: {  	s10 =	sld [smem:$0x3FB3];
	_ =	sdelay $0x3  }
0x36: {  	p1 =	seq.s32 s10, $0x1;
	s10 =	sld [smem:$0x3FB4];
	_ =	sdelay $0x3  }
0x37: {  	[smem:$0x3FB4] =	sst s10  }
0x38: {  	s10 =	sld [smem:$0x3FB5]  }
0x39: {  	_ = 	snop;
	(pc) =	sbr.ind lr, $3  }
0x3a: {  	_ = 	snop  }
0x3b: {  	_ = 	snop  }
0x3c: {  	p2 =	seq.s32 s10, $0x1;
	s10 =	sld [smem:$0x3FB4]  }
0x3d: {  	_ =	shalt  }
0x3e: {  	_ =	shalt  }
0x3f: {  	_ =	shalt  }
0x40: {  	_ =	shalt  }
0x41: {  	_ =	shalt  }
0x42: {  	_ =	shalt  }
0x43: {  	_ =	shalt  }
0x44: {  	_ =	shalt  }
0x45: {  	_ =	shalt  }
0x46: {  	_ =	shalt  }
0x47: {  	_ =	shalt  }
0x48: {  	_ =	shalt  }
0x49: {  	_ =	shalt  }
0x4a: {  	_ =	shalt  }
0x4b: {  	_ =	shalt  }
0x4c: {  	_ =	shalt  }
0x4d: {  	_ =	shalt  }
0x4e: {  	_ =	shalt  }
0x4f: {  	_ =	shalt  }
0x50: {  	_ =	shalt  }
0x51: {  	_ =	shalt  }
0x52: {  	_ =	shalt  }
0x53: {  	_ =	shalt  }
0x54: {  	_ =	shalt  }
0x55: {  	_ =	shalt  }
0x56: {  	_ =	shalt  }
0x57: {  	_ =	shalt  }
0x58: {  	_ =	shalt  }
0x59: {  	_ =	shalt  }
0x5a: {  	_ =	shalt  }
0x5b: {  	_ =	shalt  }
0x5c: {  	_ =	shalt  }
0x5d: {  	_ =	shalt  }
0x5e: {  	_ =	shalt  }
0x5f: {  	_ =	shalt  }
0x60: {  	_ =	shalt  }
0x61: {  	_ =	shalt  }
0x62: {  	_ =	shalt  }
0x63: {  	_ =	shalt  }
0x64: {  	_ =	shalt  }
0x65: {  	_ =	shalt  }
0x66: {  	_ =	shalt  }
0x67: {  	_ =	shalt  }
0x68: {  	_ =	shalt  }
0x69: {  	_ =	shalt  }
0x6a: {  	_ =	shalt  }
0x6b: {  	_ =	shalt  }
0x6c: {  	_ =	shalt  }
0x6d: {  	_ =	shalt  }
0x6e: {  	_ =	shalt  }
0x6f: {  	_ =	shalt  }
0x70: {  	_ =	shalt  }
0x71: {  	_ =	shalt  }
0x72: {  	_ =	shalt  }
0x73: {  	_ =	shalt  }
0x74: {  	_ =	shalt  }
0x75: {  	_ =	shalt  }
0x76: {  	_ =	shalt  }
0x77: {  	_ =	shalt  }
0x78: {  	_ =	shalt  }
0x79: {  	_ =	shalt  }
0x7a: {  	_ =	shalt  }
0x7b: {  	_ =	shalt  }
0x7c: {  	_ =	shalt  }
0x7d: {  	_ =	shalt  }
0x7e: {  	_ =	shalt  }
0x7f: {  	_ =	shalt  }
0x80: {  	_ =	shalt  }
0x81: {  	_ =	shalt  }
0x82: {  	_ =	shalt  }
0x83: {  	_ =	shalt  }
0x84: {  	_ =	shalt  }
0x85: {  	_ =	shalt  }
0x86: {  	_ =	shalt  }
0x87: {  	_ =	shalt  }
.Lfunc_end0:
.L_simem_size_0:
called_computation_lowered:
.L_overlay_start_0:
0x88: {  	s2 =	sld [smem:$0x3FD9]  }
0x89: {  	s3 =	sld [smem:$0x3FFE];
	_ =	sdelay $0x1  }
0x8a: {  	s1 =	srdreg.scid  }
0x8b: {  	s0 =	sand.u32 $0x1, s1  }
0x8c: {  	s17 =	sshll.u32 s0, $0xA;
	s2 =	sadd.s32 s3, s2  }
0x8d: {  	s2 =	sadd.s32 s2, s17  }
0x8e: {  	[smem:$0x3FC0] =	sst s2  }
0x8f: {  	_ = 	snop  }
0x90: {  	s2 =	sld [smem:$0x3FD0];
	(tm) =	ssettm $0x1  }
0x91: {  	s18 =	sld [smem:$0x3FFB];
	_ =	sdelay $0x3  }
0x92: {  	_ =	strace s18  }
0x93: {  	s3 =	sld [smem:$0x3FFC];
	_ =	sdelay $0x3  }
0x94: {  	_ =	strace s3  }
0x95: {  	s3 =	sld [smem:$0x3FFD];
	_ =	sdelay $0x3  }
0x96: {  	_ =	strace s3  }
0x97: {  	_ =	strace $0x8FFFFFFF  }
0x98: {  	s19 =	sld [smem:$0x3FDB];
	_ =	sdelay $0x1  }
0x99: {  	s4 =	simm.s32 $_scs_section_size  }
0x9a: {  	s5 =	simm.s32 $_size__tile_overlayer_lowered;
	s6 =	simm.s32 $_tile_overlayer_lowered  }
0x9b: {  	s22 =	simm.s32 $0x1BFF;
	s21 =	sshll.u32 s6, $0x1;
	s3 =	sadd.s32 s4, s19  }
0x9c: {  	s7 =	simm.s32 $0x0;
	s20 =	sshll.u32 s5, $0x1;
	s5 =	sadd.s32 s21, s3  }
0x9d: {  	[timem:s7], [sflag:s22] =	dma.local [hbm:s5], s20  }
0x9e: {  	_ =	swait.ge [sflag:s22], s20  }
0x9f: {  	s4 =	ssub.s32 $0x0, s20;
	[sflag:s22] =	ssyncset.done $0x0  }
0xa0: {  	[sflag:s22] =	ssyncadd.s32 s4;
	_ =	sdelay $0x1  }
0xa1: {  	s23 =	simm.s32 $0x1B8B  }
0xa2: {  	_ =	swait.ge [sflag:s23], $0x1  }
0xa3: {  	[sflag:s23] =	ssyncset.done $0x0  }
0xa4: {  	s25 =	simm.s32 $0x1B8E;
	s24 =	sld [smem:$0x3FFE];
	[sflag:s23] =	ssyncadd.s32 $0xFFFFFFFF  }
0xa5: {  	s26 =	simm.s32 $execute0_lowered;
	[smem:$0x3FD2] =	sst s25  }
0xa6: {  	s5 =	sshll.u32 s26, $0x1;
	_ =	strace $0x80000046;
	[dreg:$0x1] =	wrdreg $0xFFFFFFFF  }
0xa7: {  	s28 =	simm.s32 $_size_execute0_lowered;
	s3 =	sadd.s32 s3, s5;
	[dreg:$0x0] =	wrdreg $0x0  }
0xa8: {  	s5 =	sshll.u32 s28, $0x1;
	[dreg:$0x2] =	wrdreg s3  }
0xa9: {  	[dreg:$0x3] =	wrdreg s5  }
0xaa: {  	[dreg:$0x4] =	wrdreg $0xC0  }
0xab: {  	_ =	task [dreg:s7], $0x5FFFF  }
0xac: {  	[dreg:$0x1] =	wrdreg $0xFFFFFFFF  }
0xad: {  	[dreg:$0x0] =	wrdreg $0x60  }
0xae: {  	[dreg:$0x2] =	wrdreg s2  }
0xaf: {  	[dreg:$0x3] =	wrdreg s24  }
0xb0: {  	[dreg:$0x4] =	wrdreg $0x9  }
0xb1: {  	_ =	task.clear_ibuf [dreg:s7], $0x5FFFF;
	_ =	strace $0x90000046  }
0xb2: {  	s29 =	simm.s32 $0x9;
	_ =	strace $0x80000048  }
0xb3: {  	_ =	swait.ge [sflag:s29], $0x1  }
0xb4: {  	[sflag:s29] =	ssyncadd.s32 $0xFFFFFFFF  }
0xb5: {  	_ =	strace $0x90000048  }
0xb6: {  	_ =	sfence  }
0xb7: {  	s30 =	sld [smem:$0x0];
	_ =	sdelay $0x2  }
0xb8: {  	s31 =	sshll.u32 s1, $0xD;
	s1 =	sshrl.u32 s1, $0x2  }
0xb9: {  	s3 =	sand.u32 $0x4000, s31;
	s1 =	sadd.s32 s1, s30  }
0xba: {  	s0 =	sor.u32 s3, s0;
	s1 =	sshll.u32 s1, $0x11  }
0xbb: {  	s0 =	sor.u32 s1, s0  }
0xbc: {  	s0 =	sadd.s32 $0x8F2B, s0  }
0xbd: {  	[sflag:s0] =	ssyncadd.remote.s32 $0x1  }
0xbe: {  	_ =	sfence.sel $0xFFFF  }
0xbf: {  	[dreg:$0x0] =	wrdreg $0xFFFFFFFF;
	(pc) =	sbr.abs _section_cstart, $3  }
0xc0: {  	[dreg:$0x1] =	wrdreg $0xFFFFFFFF  }
0xc1: {  	_ =	task.clear_ibuf [dreg:s7], $0x2FFFF;
	_ =	strace $0x9FFFFFFF  }
0xc2: {  	(tm) =	ssettm $0x7FFFFFFF  }
0xc3: {  	_ =	shalt  }
tec
execute0_lowered:
.L_overlay_start_1:
0x0: {  	(tag) =	ssettag $0x1  }
0x1: {  	s1 =	srdreg.scid;
	s2 =	rddreg [dreg:$0x0]  }
0x2: {  	s0 =	stileid.u32;
	s5 =	rddreg [dreg:$0x1]  }
0x3: {  	s3 =	simm.s32 $0x0;
	s11 =	simm.s32 $0x0;
	s4 =	sand.u32 $0x1, s1  }
0x4: {  	s28 =	sshll.u32 s0, $0x1;
	s1 =	rddreg [dreg:$0x2];
	s7 =	smul.u32 $0x28000, s0  }
0x5: {  	[smem:$0x7FF] =	sst s3;
	s6 =	sor.u32 s4, s28;
	s10 =	smul.u32 $0x14000, s4  }
0x6: {  	s8 =	ssub.s32 $0x2, s4;
	_ =	strace $0x80000047;
	s6 =	smul.u32 $0x500, s6  }
0x7: {  	s9 =	sshrl.u32 s8, $0x1;
	s30 =	sadd.s32 s7, s5;
	s7 =	simm.s32 $0x2  }
0x8: {  	s31 =	ssub.s32 s8, s9;
	s8 =	simm.s32 $0x80;
	s9 =	simm.s32 $0x2800  }
0x9: {  	s29 =	sadd.s32 s6, s5;
	s5 =	smax.u32 s31, $0x1;
	s6 =	sadd.s32 s10, s30  }
0xa: {  	s10 =	simm.s32 $0x1;
	s4 =	sadd.s32 $0xD200, s29;
	s6 =	sadd.s32 $0x17200, s6  }
.LBB2_1:
0xb: {  	[tilespmem:s3], [sflag:$0x2] =	stream.linear.gather [hbm4b:s4+s3], $0x2800, $0x38;
	[tilespmem:$0x4800] =	vst v63  }
0xc: {  	_ =	swait.ge [sflag:s7], $0x2800  }
0xd: {  	[sflag:s7] =	ssyncset.done $0x0  }
0xe: {  	s12 =	simm.s32 $0x0;
	[sflag:s7] =	ssyncadd.s32 $0xFFFFD800  }
0xf: {  	[tilespmem:s9], [sflag:$0x1] =	stream.indirect.gather [hbm4b:s2+s8], $0x40, s12, s8, $0xb8;
	[tilespmem:$0x4800] =	vst v63  }
0x10: {  	_ =	swait.ge [sflag:s10], $0x2000  }
0x11: {  	[sflag:s10] =	ssyncset.done $0x0  }
0x12: {  	[sflag:s10] =	ssyncadd.s32 $0xFFFFE000  }
0x13: {  	[hbm4b:s6+s3] =	stream.linear.scatter [tilespmem:s9], [sflag:$0x2], $0x2000, $0x38;
	[tilespmem:$0x4800] =	vst v63  }
0x14: {  	s13 =	simm.s32 $0x200;
	_ =	swait.ge [sflag:s7], $0x2000  }
0x15: {  	s14 =	simm.s32 $0x400;
	s12 =	sadd.s32 $0x400, s6;
	[sflag:s7] =	ssyncset.done $0x0  }
.LBB2_2:
0x16: {  	s15 =	sshra.s32 s13, $0x2  }
0x17: {  	[sflag:s7] =	ssyncadd.s32 $0xFFFFE000;
	s13 =	smov.u32 s14;
	s16 =	sadd.s32 $0x200, s14  }
0x18: {  	[tilespmem:s9], [sflag:$0x1] =	stream.indirect.gather [hbm4b:s2+s8], $0x40, s15, s8, $0xb8;
	[tilespmem:$0x4800] =	vst v63  }
0x19: {  	p0 =	sne.s32 s14, $0x9E00;
	_ =	swait.ge [sflag:s10], $0x2000  }
.Ltmp0:
0x1a: {  	[sflag:s10] =	ssyncset.done $0x0;
	(pc) =	sbr.rel @p0 .LBB2_2-.Ltmp0, $4  }
0x1b: {  	[sflag:s10] =	ssyncadd.s32 $0xFFFFE000  }
0x1c: {  	[hbm4b:s12+s3] =	stream.linear.scatter [tilespmem:s9], [sflag:$0x2], $0x2000, $0x38;
	[tilespmem:$0x4800] =	vst v63  }
0x1d: {  	_ =	swait.ge [sflag:s7], $0x2000  }
0x1e: {  	s14 =	smov.u32 s16;
	s12 =	sadd.s32 $0x400, s12;
	[sflag:s7] =	ssyncset.done $0x0  }
0x1f: {  	s13 =	sshra.s32 s13, $0x2;
	[sflag:s7] =	ssyncadd.s32 $0xFFFFE000  }
0x20: {  	[tilespmem:s9], [sflag:$0x1] =	stream.indirect.gather [hbm4b:s2+s8], $0x40, s13, s8, $0xb8;
	[tilespmem:$0x4800] =	vst v63  }
0x21: {  	s11 =	sadd.s32 $0x1, s11;
	_ =	swait.ge [sflag:s10], $0x2000  }
0x22: {  	p0 =	sne.s32 s11, s5;
	[sflag:s10] =	ssyncset.done $0x0  }
.Ltmp1:
0x23: {  	[sflag:s10] =	ssyncadd.s32 $0xFFFFE000;
	(pc) =	sbr.rel @p0 .LBB2_1-.Ltmp1, $4  }
0x24: {  	[hbm4b:s12+s3] =	stream.linear.scatter [tilespmem:s9], [sflag:$0x2], $0x2000, $0x38;
	[tilespmem:$0x4800] =	vst v63  }
0x25: {  	_ =	swait.ge [sflag:s7], $0x2000  }
0x26: {  	[sflag:s7] =	ssyncset.done $0x0  }
0x27: {  	[sflag:s7] =	ssyncadd.s32 $0xFFFFE000  }
0x28: {  	_ =	sfence.sel $0x180000  }
0x29: {  	[bflag:$0x0] =	sbarrier.arrive $0xFFFF  }
0x2a: {  	p0 =	sne.s32 s0, $0x0;
	_ =	strace $0x90000047  }
0x2b: {  	s0 =	sadd.s32 @!p0 $0x100000, s1;
	[bflag:$0x2] =	sbarrier.arrive $0xFFFF  }
0x2c: {  	[sflag:s0] =	ssyncadd.tile.s32 @!p0 $0x1;
	_ =	shalt  }
.Lfunc_end2:
_tile_overlayer_lowered:
.L_overlay_start_2:
0x2d: {  	(tag) =	ssettag $0x2  }
0x2e: {  	s0 =	rddreg [dreg:$0x0];
	s2 =	stileid.u32  }
0x2f: {  	s1 =	rddreg [dreg:$0x1];
	p0 =	sne.s32 s2, $0x0  }
0x30: {  	s3 =	rddreg [dreg:$0x2];
	[bflag:$0x3] =	sbarrier.arrive $0xFFFF;
	s2 =	simm.s32 @!p0 $0x1C02  }
0x31: {  	[timem:s3], [sflag:s2] =	dma.local @!p0 [hbm:s0], s1  }
0x32: {  	s0 =	simm.s32 @!p0 $0x2  }
0x33: {  	_ =	swait.ge @!p0 [sflag:s0], s1  }
0x34: {  	s1 =	ssub.s32 @!p0 $0x0, s1;
	[sflag:s0] =	ssyncset.done @!p0 $0x0  }
0x35: {  	[sflag:s0] =	ssyncadd.s32 @!p0 s1  }
0x36: {  	[bflag:$0x3] =	sbarrier.arrive $0xFFFF  }
0x37: {  	_ =	shalt  }

</sc_bundles>
